<compile_context>
chip_gen: v7x
topology: tpu7x:2x2x1
jax: 0.10.2.dev20260603
libtpu: 0.0.44.dev20260713+nightly
codegen_flags: <defaults>
</compile_context>

<pallas_src>
import jax
import jax.numpy as jnp
from jax import lax
from jax.experimental import pallas as pl
from jax.experimental.pallas import tpu as pltpu
from jax.experimental.pallas import tpu_sc as plsc

M = 100000
D = 128
B = 16384
MP = 100352
RBC = 3584
RB = 4000

NC, NS = 2, 16
NW = NC * NS
CPW = D // NW
CH = 8192
NCH = B // CH

_SC_MESH = plsc.VectorSubcoreMesh(
    core_axis_name="c", subcore_axis_name="s", num_cores=NC, num_subcores=NS
)


def _sc_scatter_body(idx_hbm, upd_hbm, delta_hbm, acc, idx_v, upd_v):
    wid = lax.axis_index("s") * NC + lax.axis_index("c")
    zeros16 = jnp.zeros((16,), jnp.float32)

    def zbody(i, _):
        for u in range(8):
            acc[pl.ds(i * 128 + u * 16, 16)] = zeros16
        return 0

    lax.fori_loop(0, MP // 128, zbody, 0)

    for q in range(CPW):
        j = wid * CPW + q
        pltpu.sync_copy(idx_hbm.at[j], idx_v)

        for c in range(NCH):
            pltpu.sync_copy(upd_hbm.at[j, pl.ds(c * CH, CH)], upd_v)

            def sbody(k, _):
                for u in range(8):
                    off = k * 128 + u * 16
                    iv = idx_v[pl.ds(c * CH + off, 16)]
                    uv = upd_v[pl.ds(off, 16)]
                    plsc.addupdate_scatter(acc, [iv], uv)
                return 0

            lax.fori_loop(0, CH // 128, sbody, 0)

        pltpu.sync_copy(acc, delta_hbm.at[j])


_sc_scatter = pl.kernel(
    _sc_scatter_body,
    out_type=jax.ShapeDtypeStruct((D, MP), jnp.float32),
    mesh=_SC_MESH,
    compiler_params=pltpu.CompilerParams(needs_layout_passes=False),
    scratch_types=[
        pltpu.VMEM((MP,), jnp.float32),
        pltpu.VMEM((B,), jnp.int32),
        pltpu.VMEM((CH,), jnp.float32),
    ],
)


def _var8_body(var_ref, v8_ref):
    v8_ref[...] = var_ref[...].astype(jnp.int8)


def _combine_body(scale_ref, var_ref, p_ref, out_ref, pmax_ref):
    pt = p_ref[...].T
    lane = lax.broadcasted_iota(jnp.int32, (RBC, D), 1)
    shifted = jnp.where(lane % 4 != 0, pltpu.roll(pt, 1, axis=1), 0.0)
    dt = pt - shifted
    out = var_ref[...].astype(jnp.float32) * scale_ref[0] + dt
    out_ref[...] = out
    row = (pl.program_id(0) * RBC
           + lax.broadcasted_iota(jnp.int32, (RBC, D), 0))
    absout = jnp.where(row < M, jnp.abs(out), 0.0)
    pmax_ref[pl.program_id(0)] = jnp.max(absout)


def _quant_body(scale_ref, out_ref, y_ref):
    inv = 1.0 / scale_ref[0]
    y = jnp.clip(jnp.round(out_ref[...] * inv), -128, 127)
    y_ref[...] = y.astype(jnp.int8)


def kernel(var, var_scale, indices, updates, smooth_scales):
    idx_t = indices.T
    upd_t = (updates * smooth_scales).astype(jnp.float32).T

    var8 = pl.pallas_call(
        _var8_body,
        grid=(M // RB,),
        in_specs=[pl.BlockSpec((RB, D), lambda i: (i, 0))],
        out_specs=pl.BlockSpec((RB, D), lambda i: (i, 0)),
        out_shape=jax.ShapeDtypeStruct((M, D), jnp.int8),
    )(var)

    delta_t = _sc_scatter(idx_t, upd_t)

    nblk = MP // RBC
    output, pmax = pl.pallas_call(
        _combine_body,
        grid=(nblk,),
        in_specs=[
            pl.BlockSpec(memory_space=pltpu.SMEM),
            pl.BlockSpec((RBC, D), lambda i: (i, 0)),
            pl.BlockSpec((D, RBC), lambda i: (0, i)),
        ],
        out_specs=[
            pl.BlockSpec((RBC, D), lambda i: (i, 0)),
            pl.BlockSpec((nblk,), lambda i: (0,), memory_space=pltpu.SMEM),
        ],
        out_shape=[
            jax.ShapeDtypeStruct((M, D), jnp.float32),
            jax.ShapeDtypeStruct((nblk,), jnp.float32),
        ],
    )(var_scale, var8, delta_t)

    new_scale = (jnp.max(pmax) / 127.0).reshape(1)

    y = pl.pallas_call(
        _quant_body,
        grid=(M // RB,),
        in_specs=[
            pl.BlockSpec(memory_space=pltpu.SMEM),
            pl.BlockSpec((RB, D), lambda i: (i, 0)),
        ],
        out_specs=pl.BlockSpec((RB, D), lambda i: (i, 0)),
        out_shape=jax.ShapeDtypeStruct((M, D), jnp.int8),
    )(new_scale, output)

    return (y, output, new_scale)

# --- scband reference (transcript-rebuilt; emitter-appended) ---
"""Pipeline reference for scband-model-22265110462511 (READ-ONLY COPY).

The authoritative reference and input builder live on the scoring server;
editing this copy changes nothing except your own understanding.
"""

import jax, jax.numpy as jnp
import numpy as np

M = 100000
D = 128
B = 16384

def setup_inputs(seed: int = 0) -> dict:
    key = jax.random.key(seed)
    k1, k2, k3, k4, k5 = jax.random.split(key, 5)
    var = jax.random.randint(k1, (M, D), 0, 127, dtype=jnp.int32)
    var_scale = jax.random.uniform(k2, (1,), dtype=jnp.float32)
    indices = jax.random.randint(k3, (B, D), 0, M, dtype=jnp.int32)
    updates = jax.random.normal(k4, (B, D), dtype=jnp.float16)
    smooth_scales = jax.random.uniform(k5, (D,), dtype=jnp.float16)
    return {"var": var, "var_scale": var_scale, "indices": indices, "updates": updates, "smooth_scales": smooth_scales}

def reference(var, var_scale, indices, updates, smooth_scales):
    # DynamicQuantUpdateScatter, reduce='add', axis=0
    var_dequantized = var.astype(jnp.float32) * var_scale
    scaled_updates = (updates * smooth_scales).astype(jnp.float32)
    # torch scatter_add_ with axis=0: out[indices[i,j], j] += src[i,j]
    cols = jnp.broadcast_to(jnp.arange(updates.shape[1]), updates.shape)
    output = var_dequantized.at[indices, cols].add(scaled_updates)
    max_val = jnp.abs(output).max()
    new_scale = max_val / 127.0
    y = jnp.clip(jnp.round(output / new_scale), -128, 127).astype(jnp.int8)
    return (y, output, new_scale[None])

if __name__ == "__main__":
    import jax
    _d = setup_inputs()
    print(jax.jit(kernel)(*tuple(_d.values())))

</pallas_src>

<mosaic_0001>
#map = affine_map<(d0, d1) -> (0, 0)>
module attributes {stable_mosaic.version = 14 : i64} {
  func.func @_sc_scatter_body(%arg0: i32, %arg1: i32, %arg2: memref<128x16384xi32, #tpu.memory_space<hbm>>, %arg3: memref<128x16384xf32, #tpu.memory_space<hbm>>, %arg4: memref<128x100352xf32, #tpu.memory_space<hbm>>, %arg5: memref<100352xf32, #tpu.memory_space<vmem>>, %arg6: memref<16384xi32, #tpu.memory_space<vmem>>, %arg7: memref<8192xf32, #tpu.memory_space<vmem>>) attributes {dimension_semantics = [#tpu.dimension_semantics<core_parallel>, #tpu.dimension_semantics<subcore_parallel>], iteration_bounds = array<i64: 2, 16>, scalar_prefetch = 0 : i64, scratch_operands = 3 : i64, tpu.core_type = #tpu.core_type<sc_vector_subcore>, window_params = [{transform_indices = #map}, {transform_indices = #map}, {transform_indices = #map}]} {
    %mul3A = arith.constant 2 : i32
    %mul3A_0 = arith.muli %arg1, %mul3A : i32
    %add3A = arith.addi %mul3A_0, %arg0 : i32
    %broadcast_in_dim3A = arith.constant 0.000000e+00 : f32
    %broadcast_in_dim3A_1 = vector.broadcast %broadcast_in_dim3A : f32 to vector<16xf32>
    %scan3A = arith.constant 0 : i32
    %scan3A_2 = arith.constant 0 : i32
    %scan3A_3 = arith.constant 784 : i32
    %scan3A_4 = arith.addi %scan3A_2, %scan3A_3 : i32
    %scan3A_5 = arith.constant 1 : i32
    %scan3A_6 = scf.for %scan3A_80 = %scan3A_2 to %scan3A_4 step %scan3A_5 iter_args(%scan3A_81 = %scan3A) -> (i32)  : i32 {
      %mul3A_82 = arith.constant 128 : i32
      %mul3A_83 = arith.muli %scan3A_80, %mul3A_82 : i32
      %add3A_84 = arith.constant 0 : i32
      %add3A_85 = arith.addi %mul3A_83, %add3A_84 : i32
      %swap3A = arith.index_cast %add3A_85 : i32 to index
      %swap3A_86 = tpu.vector_load %arg5[%swap3A] {strides = array<i32>} : memref<100352xf32, #tpu.memory_space<vmem>>, vector<16xf32>,
      tpu.vector_store %arg5[%swap3A], %broadcast_in_dim3A_1 {strides = array<i32>} : memref<100352xf32, #tpu.memory_space<vmem>>, vector<16xf32>,
      %mul3A_87 = arith.constant 128 : i32
      %mul3A_88 = arith.muli %scan3A_80, %mul3A_87 : i32
      %add3A_89 = arith.constant 16 : i32
      %add3A_90 = arith.addi %mul3A_88, %add3A_89 : i32
      %swap3A_91 = arith.index_cast %add3A_90 : i32 to index
      %swap3A_92 = tpu.vector_load %arg5[%swap3A_91] {strides = array<i32>} : memref<100352xf32, #tpu.memory_space<vmem>>, vector<16xf32>,
      tpu.vector_store %arg5[%swap3A_91], %broadcast_in_dim3A_1 {strides = array<i32>} : memref<100352xf32, #tpu.memory_space<vmem>>, vector<16xf32>,
      %mul3A_93 = arith.constant 128 : i32
      %mul3A_94 = arith.muli %scan3A_80, %mul3A_93 : i32
      %add3A_95 = arith.constant 32 : i32
      %add3A_96 = arith.addi %mul3A_94, %add3A_95 : i32
      %swap3A_97 = arith.index_cast %add3A_96 : i32 to index
      %swap3A_98 = tpu.vector_load %arg5[%swap3A_97] {strides = array<i32>} : memref<100352xf32, #tpu.memory_space<vmem>>, vector<16xf32>,
      tpu.vector_store %arg5[%swap3A_97], %broadcast_in_dim3A_1 {strides = array<i32>} : memref<100352xf32, #tpu.memory_space<vmem>>, vector<16xf32>,
      %mul3A_99 = arith.constant 128 : i32
      %mul3A_100 = arith.muli %scan3A_80, %mul3A_99 : i32
      %add3A_101 = arith.constant 48 : i32
      %add3A_102 = arith.addi %mul3A_100, %add3A_101 : i32
      %swap3A_103 = arith.index_cast %add3A_102 : i32 to index
      %swap3A_104 = tpu.vector_load %arg5[%swap3A_103] {strides = array<i32>} : memref<100352xf32, #tpu.memory_space<vmem>>, vector<16xf32>,
      tpu.vector_store %arg5[%swap3A_103], %broadcast_in_dim3A_1 {strides = array<i32>} : memref<100352xf32, #tpu.memory_space<vmem>>, vector<16xf32>,
      %mul3A_105 = arith.constant 128 : i32
      %mul3A_106 = arith.muli %scan3A_80, %mul3A_105 : i32
      %add3A_107 = arith.constant 64 : i32
      %add3A_108 = arith.addi %mul3A_106, %add3A_107 : i32
      %swap3A_109 = arith.index_cast %add3A_108 : i32 to index
      %swap3A_110 = tpu.vector_load %arg5[%swap3A_109] {strides = array<i32>} : memref<100352xf32, #tpu.memory_space<vmem>>, vector<16xf32>,
      tpu.vector_store %arg5[%swap3A_109], %broadcast_in_dim3A_1 {strides = array<i32>} : memref<100352xf32, #tpu.memory_space<vmem>>, vector<16xf32>,
      %mul3A_111 = arith.constant 128 : i32
      %mul3A_112 = arith.muli %scan3A_80, %mul3A_111 : i32
      %add3A_113 = arith.constant 80 : i32
      %add3A_114 = arith.addi %mul3A_112, %add3A_113 : i32
      %swap3A_115 = arith.index_cast %add3A_114 : i32 to index
      %swap3A_116 = tpu.vector_load %arg5[%swap3A_115] {strides = array<i32>} : memref<100352xf32, #tpu.memory_space<vmem>>, vector<16xf32>,
      tpu.vector_store %arg5[%swap3A_115], %broadcast_in_dim3A_1 {strides = array<i32>} : memref<100352xf32, #tpu.memory_space<vmem>>, vector<16xf32>,
      %mul3A_117 = arith.constant 128 : i32
      %mul3A_118 = arith.muli %scan3A_80, %mul3A_117 : i32
      %add3A_119 = arith.constant 96 : i32
      %add3A_120 = arith.addi %mul3A_118, %add3A_119 : i32
      %swap3A_121 = arith.index_cast %add3A_120 : i32 to index
      %swap3A_122 = tpu.vector_load %arg5[%swap3A_121] {strides = array<i32>} : memref<100352xf32, #tpu.memory_space<vmem>>, vector<16xf32>,
      tpu.vector_store %arg5[%swap3A_121], %broadcast_in_dim3A_1 {strides = array<i32>} : memref<100352xf32, #tpu.memory_space<vmem>>, vector<16xf32>,
      %mul3A_123 = arith.constant 128 : i32
      %mul3A_124 = arith.muli %scan3A_80, %mul3A_123 : i32
      %add3A_125 = arith.constant 112 : i32
      %add3A_126 = arith.addi %mul3A_124, %add3A_125 : i32
      %swap3A_127 = arith.index_cast %add3A_126 : i32 to index
      %swap3A_128 = tpu.vector_load %arg5[%swap3A_127] {strides = array<i32>} : memref<100352xf32, #tpu.memory_space<vmem>>, vector<16xf32>,
      tpu.vector_store %arg5[%swap3A_127], %broadcast_in_dim3A_1 {strides = array<i32>} : memref<100352xf32, #tpu.memory_space<vmem>>, vector<16xf32>,
      %scan3A_129 = arith.constant 0 : i32
      scf.yield %scan3A_129 : i32
    }
    %scan3A_7 = arith.constant 784 : i32
    %mul3A_8 = arith.constant 4 : i32
    %mul3A_9 = arith.muli %add3A, %mul3A_8 : i32
    %add3A_10 = arith.constant 0 : i32
    %add3A_11 = arith.addi %mul3A_9, %add3A_10 : i32
    "tpu.region"() ({
      %run_scoped3A = tpu.sem_alloc : memref<!tpu.dma_semaphore, #tpu.memory_space<semaphore_mem>>
      %dma_start3A = arith.constant 0 : i32
      %dma_start3A_80 = tpu.memref_slice %arg2[%add3A_11, %dma_start3A] : memref<128x16384xi32, #tpu.memory_space<hbm>> -> memref<1x16384xi32, #tpu.memory_space<hbm>>
      %dma_start3A_81 = tpu.memref_squeeze %dma_start3A_80 : memref<1x16384xi32, #tpu.memory_space<hbm>> -> memref<16384xi32, #tpu.memory_space<hbm>>
      %dma_start3A_82 = arith.constant 0 : i32
      %dma_start3A_83 = tpu.memref_slice %arg2[%add3A_11, %dma_start3A_82] : memref<128x16384xi32, #tpu.memory_space<hbm>> -> memref<1x16384xi32, #tpu.memory_space<hbm>>
      %dma_start3A_84 = tpu.memref_squeeze %dma_start3A_83 : memref<1x16384xi32, #tpu.memory_space<hbm>> -> memref<16384xi32, #tpu.memory_space<hbm>>
      tpu.enqueue_dma source(%dma_start3A_84 : memref<16384xi32, #tpu.memory_space<hbm>>) target(%arg6 : memref<16384xi32, #tpu.memory_space<vmem>>) target_semaphore(%run_scoped3A : memref<!tpu.dma_semaphore, #tpu.memory_space<semaphore_mem>>)
      %dma_wait3A = arith.constant 0 : i32
      %dma_wait3A_85 = tpu.memref_slice %arg2[%add3A_11, %dma_wait3A] : memref<128x16384xi32, #tpu.memory_space<hbm>> -> memref<1x16384xi32, #tpu.memory_space<hbm>>
      %dma_wait3A_86 = tpu.memref_squeeze %dma_wait3A_85 : memref<1x16384xi32, #tpu.memory_space<hbm>> -> memref<16384xi32, #tpu.memory_space<hbm>>
      %dma_wait3A_87 = arith.constant 0 : i32
      %dma_wait3A_88 = tpu.memref_slice %arg2[%add3A_11, %dma_wait3A_87] : memref<128x16384xi32, #tpu.memory_space<hbm>> -> memref<1x16384xi32, #tpu.memory_space<hbm>>
      %dma_wait3A_89 = tpu.memref_squeeze %dma_wait3A_88 : memref<1x16384xi32, #tpu.memory_space<hbm>> -> memref<16384xi32, #tpu.memory_space<hbm>>
      tpu.wait_dma2 semaphore(%run_scoped3A : memref<!tpu.dma_semaphore, #tpu.memory_space<semaphore_mem>>) src(%dma_wait3A_89 : memref<16384xi32, #tpu.memory_space<hbm>>) dst(%arg6 : memref<16384xi32, #tpu.memory_space<vmem>>)
      tpu.yield
    }) : () -> ()
    "tpu.region"() ({
      %run_scoped3A = tpu.sem_alloc : memref<!tpu.dma_semaphore, #tpu.memory_space<semaphore_mem>>
      %dma_start3A = arith.constant 0 : i32
      %dma_start3A_80 = tpu.memref_slice %arg3[%add3A_11, %dma_start3A] : memref<128x16384xf32, #tpu.memory_space<hbm>> -> memref<1x8192xf32, #tpu.memory_space<hbm>>
      %dma_start3A_81 = tpu.memref_squeeze %dma_start3A_80 : memref<1x8192xf32, #tpu.memory_space<hbm>> -> memref<8192xf32, #tpu.memory_space<hbm>>
      %dma_start3A_82 = arith.constant 0 : i32
      %dma_start3A_83 = tpu.memref_slice %arg3[%add3A_11, %dma_start3A_82] : memref<128x16384xf32, #tpu.memory_space<hbm>> -> memref<1x8192xf32, #tpu.memory_space<hbm>>
      %dma_start3A_84 = tpu.memref_squeeze %dma_start3A_83 : memref<1x8192xf32, #tpu.memory_space<hbm>> -> memref<8192xf32, #tpu.memory_space<hbm>>
      tpu.enqueue_dma source(%dma_start3A_84 : memref<8192xf32, #tpu.memory_space<hbm>>) target(%arg7 : memref<8192xf32, #tpu.memory_space<vmem>>) target_semaphore(%run_scoped3A : memref<!tpu.dma_semaphore, #tpu.memory_space<semaphore_mem>>)
      %dma_wait3A = arith.constant 0 : i32
      %dma_wait3A_85 = tpu.memref_slice %arg3[%add3A_11, %dma_wait3A] : memref<128x16384xf32, #tpu.memory_space<hbm>> -> memref<1x8192xf32, #tpu.memory_space<hbm>>
      %dma_wait3A_86 = tpu.memref_squeeze %dma_wait3A_85 : memref<1x8192xf32, #tpu.memory_space<hbm>> -> memref<8192xf32, #tpu.memory_space<hbm>>
      %dma_wait3A_87 = arith.constant 0 : i32
      %dma_wait3A_88 = tpu.memref_slice %arg3[%add3A_11, %dma_wait3A_87] : memref<128x16384xf32, #tpu.memory_space<hbm>> -> memref<1x8192xf32, #tpu.memory_space<hbm>>
      %dma_wait3A_89 = tpu.memref_squeeze %dma_wait3A_88 : memref<1x8192xf32, #tpu.memory_space<hbm>> -> memref<8192xf32, #tpu.memory_space<hbm>>
      tpu.wait_dma2 semaphore(%run_scoped3A : memref<!tpu.dma_semaphore, #tpu.memory_space<semaphore_mem>>) src(%dma_wait3A_89 : memref<8192xf32, #tpu.memory_space<hbm>>) dst(%arg7 : memref<8192xf32, #tpu.memory_space<vmem>>)
      tpu.yield
    }) : () -> ()
    %scan3A_12 = arith.constant 0 : i32
    %scan3A_13 = arith.constant 0 : i32
    %scan3A_14 = arith.constant 64 : i32
    %scan3A_15 = arith.addi %scan3A_13, %scan3A_14 : i32
    %scan3A_16 = arith.constant 1 : i32
    %scan3A_17 = scf.for %scan3A_80 = %scan3A_13 to %scan3A_15 step %scan3A_16 iter_args(%scan3A_81 = %scan3A_12) -> (i32)  : i32 {
      %mul3A_82 = arith.constant 128 : i32
      %mul3A_83 = arith.muli %scan3A_80, %mul3A_82 : i32
      %add3A_84 = arith.constant 0 : i32
      %add3A_85 = arith.addi %mul3A_83, %add3A_84 : i32
      %add3A_86 = arith.constant 0 : i32
      %add3A_87 = arith.addi %add3A_86, %add3A_85 : i32
      %get3A = arith.index_cast %add3A_87 : i32 to index
      %get3A_88 = tpu.vector_load %arg6[%get3A] {strides = array<i32>} : memref<16384xi32, #tpu.memory_space<vmem>>, vector<16xi32>,
      %get3A_89 = arith.index_cast %add3A_85 : i32 to index
      %get3A_90 = tpu.vector_load %arg7[%get3A_89] {strides = array<i32>} : memref<8192xf32, #tpu.memory_space<vmem>>, vector<16xf32>,
      tpu.vector_store_idx %arg5[%get3A_88], %get3A_90 {add = true} : memref<100352xf32, #tpu.memory_space<vmem>>[vector<16xi32>], vector<16xf32>,
      %mul3A_91 = arith.constant 128 : i32
      %mul3A_92 = arith.muli %scan3A_80, %mul3A_91 : i32
      %add3A_93 = arith.constant 16 : i32
      %add3A_94 = arith.addi %mul3A_92, %add3A_93 : i32
      %add3A_95 = arith.constant 0 : i32
      %add3A_96 = arith.addi %add3A_95, %add3A_94 : i32
      %get3A_97 = arith.index_cast %add3A_96 : i32 to index
      %get3A_98 = tpu.vector_load %arg6[%get3A_97] {strides = array<i32>} : memref<16384xi32, #tpu.memory_space<vmem>>, vector<16xi32>,
      %get3A_99 = arith.index_cast %add3A_94 : i32 to index
      %get3A_100 = tpu.vector_load %arg7[%get3A_99] {strides = array<i32>} : memref<8192xf32, #tpu.memory_space<vmem>>, vector<16xf32>,
      tpu.vector_store_idx %arg5[%get3A_98], %get3A_100 {add = true} : memref<100352xf32, #tpu.memory_space<vmem>>[vector<16xi32>], vector<16xf32>,
      %mul3A_101 = arith.constant 128 : i32
      %mul3A_102 = arith.muli %scan3A_80, %mul3A_101 : i32
      %add3A_103 = arith.constant 32 : i32
      %add3A_104 = arith.addi %mul3A_102, %add3A_103 : i32
      %add3A_105 = arith.constant 0 : i32
      %add3A_106 = arith.addi %add3A_105, %add3A_104 : i32
      %get3A_107 = arith.index_cast %add3A_106 : i32 to index
      %get3A_108 = tpu.vector_load %arg6[%get3A_107] {strides = array<i32>} : memref<16384xi32, #tpu.memory_space<vmem>>, vector<16xi32>,
      %get3A_109 = arith.index_cast %add3A_104 : i32 to index
      %get3A_110 = tpu.vector_load %arg7[%get3A_109] {strides = array<i32>} : memref<8192xf32, #tpu.memory_space<vmem>>, vector<16xf32>,
      tpu.vector_store_idx %arg5[%get3A_108], %get3A_110 {add = true} : memref<100352xf32, #tpu.memory_space<vmem>>[vector<16xi32>], vector<16xf32>,
      %mul3A_111 = arith.constant 128 : i32
      %mul3A_112 = arith.muli %scan3A_80, %mul3A_111 : i32
      %add3A_113 = arith.constant 48 : i32
      %add3A_114 = arith.addi %mul3A_112, %add3A_113 : i32
      %add3A_115 = arith.constant 0 : i32
      %add3A_116 = arith.addi %add3A_115, %add3A_114 : i32
      %get3A_117 = arith.index_cast %add3A_116 : i32 to index
      %get3A_118 = tpu.vector_load %arg6[%get3A_117] {strides = array<i32>} : memref<16384xi32, #tpu.memory_space<vmem>>, vector<16xi32>,
      %get3A_119 = arith.index_cast %add3A_114 : i32 to index
      %get3A_120 = tpu.vector_load %arg7[%get3A_119] {strides = array<i32>} : memref<8192xf32, #tpu.memory_space<vmem>>, vector<16xf32>,
      tpu.vector_store_idx %arg5[%get3A_118], %get3A_120 {add = true} : memref<100352xf32, #tpu.memory_space<vmem>>[vector<16xi32>], vector<16xf32>,
      %mul3A_121 = arith.constant 128 : i32
      %mul3A_122 = arith.muli %scan3A_80, %mul3A_121 : i32
      %add3A_123 = arith.constant 64 : i32
      %add3A_124 = arith.addi %mul3A_122, %add3A_123 : i32
      %add3A_125 = arith.constant 0 : i32
      %add3A_126 = arith.addi %add3A_125, %add3A_124 : i32
      %get3A_127 = arith.index_cast %add3A_126 : i32 to index
      %get3A_128 = tpu.vector_load %arg6[%get3A_127] {strides = array<i32>} : memref<16384xi32, #tpu.memory_space<vmem>>, vector<16xi32>,
      %get3A_129 = arith.index_cast %add3A_124 : i32 to index
      %get3A_130 = tpu.vector_load %arg7[%get3A_129] {strides = array<i32>} : memref<8192xf32, #tpu.memory_space<vmem>>, vector<16xf32>,
      tpu.vector_store_idx %arg5[%get3A_128], %get3A_130 {add = true} : memref<100352xf32, #tpu.memory_space<vmem>>[vector<16xi32>], vector<16xf32>,
      %mul3A_131 = arith.constant 128 : i32
      %mul3A_132 = arith.muli %scan3A_80, %mul3A_131 : i32
      %add3A_133 = arith.constant 80 : i32
      %add3A_134 = arith.addi %mul3A_132, %add3A_133 : i32
      %add3A_135 = arith.constant 0 : i32
      %add3A_136 = arith.addi %add3A_135, %add3A_134 : i32
      %get3A_137 = arith.index_cast %add3A_136 : i32 to index
      %get3A_138 = tpu.vector_load %arg6[%get3A_137] {strides = array<i32>} : memref<16384xi32, #tpu.memory_space<vmem>>, vector<16xi32>,
      %get3A_139 = arith.index_cast %add3A_134 : i32 to index
      %get3A_140 = tpu.vector_load %arg7[%get3A_139] {strides = array<i32>} : memref<8192xf32, #tpu.memory_space<vmem>>, vector<16xf32>,
      tpu.vector_store_idx %arg5[%get3A_138], %get3A_140 {add = true} : memref<100352xf32, #tpu.memory_space<vmem>>[vector<16xi32>], vector<16xf32>,
      %mul3A_141 = arith.constant 128 : i32
      %mul3A_142 = arith.muli %scan3A_80, %mul3A_141 : i32
      %add3A_143 = arith.constant 96 : i32
      %add3A_144 = arith.addi %mul3A_142, %add3A_143 : i32
      %add3A_145 = arith.constant 0 : i32
      %add3A_146 = arith.addi %add3A_145, %add3A_144 : i32
      %get3A_147 = arith.index_cast %add3A_146 : i32 to index
      %get3A_148 = tpu.vector_load %arg6[%get3A_147] {strides = array<i32>} : memref<16384xi32, #tpu.memory_space<vmem>>, vector<16xi32>,
      %get3A_149 = arith.index_cast %add3A_144 : i32 to index
      %get3A_150 = tpu.vector_load %arg7[%get3A_149] {strides = array<i32>} : memref<8192xf32, #tpu.memory_space<vmem>>, vector<16xf32>,
      tpu.vector_store_idx %arg5[%get3A_148], %get3A_150 {add = true} : memref<100352xf32, #tpu.memory_space<vmem>>[vector<16xi32>], vector<16xf32>,
      %mul3A_151 = arith.constant 128 : i32
      %mul3A_152 = arith.muli %scan3A_80, %mul3A_151 : i32
      %add3A_153 = arith.constant 112 : i32
      %add3A_154 = arith.addi %mul3A_152, %add3A_153 : i32
      %add3A_155 = arith.constant 0 : i32
      %add3A_156 = arith.addi %add3A_155, %add3A_154 : i32
      %get3A_157 = arith.index_cast %add3A_156 : i32 to index
      %get3A_158 = tpu.vector_load %arg6[%get3A_157] {strides = array<i32>} : memref<16384xi32, #tpu.memory_space<vmem>>, vector<16xi32>,
      %get3A_159 = arith.index_cast %add3A_154 : i32 to index
      %get3A_160 = tpu.vector_load %arg7[%get3A_159] {strides = array<i32>} : memref<8192xf32, #tpu.memory_space<vmem>>, vector<16xf32>,
      tpu.vector_store_idx %arg5[%get3A_158], %get3A_160 {add = true} : memref<100352xf32, #tpu.memory_space<vmem>>[vector<16xi32>], vector<16xf32>,
      %scan3A_161 = arith.constant 0 : i32
      scf.yield %scan3A_161 : i32
    }
    %scan3A_18 = arith.constant 64 : i32
    "tpu.region"() ({
      %run_scoped3A = tpu.sem_alloc : memref<!tpu.dma_semaphore, #tpu.memory_space<semaphore_mem>>
      %dma_start3A = arith.constant 8192 : i32
      %dma_start3A_80 = tpu.memref_slice %arg3[%add3A_11, %dma_start3A] : memref<128x16384xf32, #tpu.memory_space<hbm>> -> memref<1x8192xf32, #tpu.memory_space<hbm>>
      %dma_start3A_81 = tpu.memref_squeeze %dma_start3A_80 : memref<1x8192xf32, #tpu.memory_space<hbm>> -> memref<8192xf32, #tpu.memory_space<hbm>>
      %dma_start3A_82 = arith.constant 8192 : i32
      %dma_start3A_83 = tpu.memref_slice %arg3[%add3A_11, %dma_start3A_82] : memref<128x16384xf32, #tpu.memory_space<hbm>> -> memref<1x8192xf32, #tpu.memory_space<hbm>>
      %dma_start3A_84 = tpu.memref_squeeze %dma_start3A_83 : memref<1x8192xf32, #tpu.memory_space<hbm>> -> memref<8192xf32, #tpu.memory_space<hbm>>
      tpu.enqueue_dma source(%dma_start3A_84 : memref<8192xf32, #tpu.memory_space<hbm>>) target(%arg7 : memref<8192xf32, #tpu.memory_space<vmem>>) target_semaphore(%run_scoped3A : memref<!tpu.dma_semaphore, #tpu.memory_space<semaphore_mem>>)
      %dma_wait3A = arith.constant 8192 : i32
      %dma_wait3A_85 = tpu.memref_slice %arg3[%add3A_11, %dma_wait3A] : memref<128x16384xf32, #tpu.memory_space<hbm>> -> memref<1x8192xf32, #tpu.memory_space<hbm>>
      %dma_wait3A_86 = tpu.memref_squeeze %dma_wait3A_85 : memref<1x8192xf32, #tpu.memory_space<hbm>> -> memref<8192xf32, #tpu.memory_space<hbm>>
      %dma_wait3A_87 = arith.constant 8192 : i32
      %dma_wait3A_88 = tpu.memref_slice %arg3[%add3A_11, %dma_wait3A_87] : memref<128x16384xf32, #tpu.memory_space<hbm>> -> memref<1x8192xf32, #tpu.memory_space<hbm>>
      %dma_wait3A_89 = tpu.memref_squeeze %dma_wait3A_88 : memref<1x8192xf32, #tpu.memory_space<hbm>> -> memref<8192xf32, #tpu.memory_space<hbm>>
      tpu.wait_dma2 semaphore(%run_scoped3A : memref<!tpu.dma_semaphore, #tpu.memory_space<semaphore_mem>>) src(%dma_wait3A_89 : memref<8192xf32, #tpu.memory_space<hbm>>) dst(%arg7 : memref<8192xf32, #tpu.memory_space<vmem>>)
      tpu.yield
    }) : () -> ()
    %scan3A_19 = arith.constant 0 : i32
    %scan3A_20 = arith.constant 0 : i32
    %scan3A_21 = arith.constant 64 : i32
    %scan3A_22 = arith.addi %scan3A_20, %scan3A_21 : i32
    %scan3A_23 = arith.constant 1 : i32
    %scan3A_24 = scf.for %scan3A_80 = %scan3A_20 to %scan3A_22 step %scan3A_23 iter_args(%scan3A_81 = %scan3A_19) -> (i32)  : i32 {
      %mul3A_82 = arith.constant 128 : i32
      %mul3A_83 = arith.muli %scan3A_80, %mul3A_82 : i32
      %add3A_84 = arith.constant 0 : i32
      %add3A_85 = arith.addi %mul3A_83, %add3A_84 : i32
      %add3A_86 = arith.constant 8192 : i32
      %add3A_87 = arith.addi %add3A_86, %add3A_85 : i32
      %get3A = arith.index_cast %add3A_87 : i32 to index
      %get3A_88 = tpu.vector_load %arg6[%get3A] {strides = array<i32>} : memref<16384xi32, #tpu.memory_space<vmem>>, vector<16xi32>,
      %get3A_89 = arith.index_cast %add3A_85 : i32 to index
      %get3A_90 = tpu.vector_load %arg7[%get3A_89] {strides = array<i32>} : memref<8192xf32, #tpu.memory_space<vmem>>, vector<16xf32>,
      tpu.vector_store_idx %arg5[%get3A_88], %get3A_90 {add = true} : memref<100352xf32, #tpu.memory_space<vmem>>[vector<16xi32>], vector<16xf32>,
      %mul3A_91 = arith.constant 128 : i32
      %mul3A_92 = arith.muli %scan3A_80, %mul3A_91 : i32
      %add3A_93 = arith.constant 16 : i32
      %add3A_94 = arith.addi %mul3A_92, %add3A_93 : i32
      %add3A_95 = arith.constant 8192 : i32
      %add3A_96 = arith.addi %add3A_95, %add3A_94 : i32
      %get3A_97 = arith.index_cast %add3A_96 : i32 to index
      %get3A_98 = tpu.vector_load %arg6[%get3A_97] {strides = array<i32>} : memref<16384xi32, #tpu.memory_space<vmem>>, vector<16xi32>,
      %get3A_99 = arith.index_cast %add3A_94 : i32 to index
      %get3A_100 = tpu.vector_load %arg7[%get3A_99] {strides = array<i32>} : memref<8192xf32, #tpu.memory_space<vmem>>, vector<16xf32>,
      tpu.vector_store_idx %arg5[%get3A_98], %get3A_100 {add = true} : memref<100352xf32, #tpu.memory_space<vmem>>[vector<16xi32>], vector<16xf32>,
      %mul3A_101 = arith.constant 128 : i32
      %mul3A_102 = arith.muli %scan3A_80, %mul3A_101 : i32
      %add3A_103 = arith.constant 32 : i32
      %add3A_104 = arith.addi %mul3A_102, %add3A_103 : i32
      %add3A_105 = arith.constant 8192 : i32
      %add3A_106 = arith.addi %add3A_105, %add3A_104 : i32
      %get3A_107 = arith.index_cast %add3A_106 : i32 to index
      %get3A_108 = tpu.vector_load %arg6[%get3A_107] {strides = array<i32>} : memref<16384xi32, #tpu.memory_space<vmem>>, vector<16xi32>,
      %get3A_109 = arith.index_cast %add3A_104 : i32 to index
      %get3A_110 = tpu.vector_load %arg7[%get3A_109] {strides = array<i32>} : memref<8192xf32, #tpu.memory_space<vmem>>, vector<16xf32>,
      tpu.vector_store_idx %arg5[%get3A_108], %get3A_110 {add = true} : memref<100352xf32, #tpu.memory_space<vmem>>[vector<16xi32>], vector<16xf32>,
      %mul3A_111 = arith.constant 128 : i32
      %mul3A_112 = arith.muli %scan3A_80, %mul3A_111 : i32
      %add3A_113 = arith.constant 48 : i32
      %add3A_114 = arith.addi %mul3A_112, %add3A_113 : i32
      %add3A_115 = arith.constant 8192 : i32
      %add3A_116 = arith.addi %add3A_115, %add3A_114 : i32
      %get3A_117 = arith.index_cast %add3A_116 : i32 to index
      %get3A_118 = tpu.vector_load %arg6[%get3A_117] {strides = array<i32>} : memref<16384xi32, #tpu.memory_space<vmem>>, vector<16xi32>,
      %get3A_119 = arith.index_cast %add3A_114 : i32 to index
      %get3A_120 = tpu.vector_load %arg7[%get3A_119] {strides = array<i32>} : memref<8192xf32, #tpu.memory_space<vmem>>, vector<16xf32>,
      tpu.vector_store_idx %arg5[%get3A_118], %get3A_120 {add = true} : memref<100352xf32, #tpu.memory_space<vmem>>[vector<16xi32>], vector<16xf32>,
      %mul3A_121 = arith.constant 128 : i32
      %mul3A_122 = arith.muli %scan3A_80, %mul3A_121 : i32
      %add3A_123 = arith.constant 64 : i32
      %add3A_124 = arith.addi %mul3A_122, %add3A_123 : i32
      %add3A_125 = arith.constant 8192 : i32
      %add3A_126 = arith.addi %add3A_125, %add3A_124 : i32
      %get3A_127 = arith.index_cast %add3A_126 : i32 to index
      %get3A_128 = tpu.vector_load %arg6[%get3A_127] {strides = array<i32>} : memref<16384xi32, #tpu.memory_space<vmem>>, vector<16xi32>,
      %get3A_129 = arith.index_cast %add3A_124 : i32 to index
      %get3A_130 = tpu.vector_load %arg7[%get3A_129] {strides = array<i32>} : memref<8192xf32, #tpu.memory_space<vmem>>, vector<16xf32>,
      tpu.vector_store_idx %arg5[%get3A_128], %get3A_130 {add = true} : memref<100352xf32, #tpu.memory_space<vmem>>[vector<16xi32>], vector<16xf32>,
      %mul3A_131 = arith.constant 128 : i32
      %mul3A_132 = arith.muli %scan3A_80, %mul3A_131 : i32
      %add3A_133 = arith.constant 80 : i32
      %add3A_134 = arith.addi %mul3A_132, %add3A_133 : i32
      %add3A_135 = arith.constant 8192 : i32
      %add3A_136 = arith.addi %add3A_135, %add3A_134 : i32
      %get3A_137 = arith.index_cast %add3A_136 : i32 to index
      %get3A_138 = tpu.vector_load %arg6[%get3A_137] {strides = array<i32>} : memref<16384xi32, #tpu.memory_space<vmem>>, vector<16xi32>,
      %get3A_139 = arith.index_cast %add3A_134 : i32 to index
      %get3A_140 = tpu.vector_load %arg7[%get3A_139] {strides = array<i32>} : memref<8192xf32, #tpu.memory_space<vmem>>, vector<16xf32>,
      tpu.vector_store_idx %arg5[%get3A_138], %get3A_140 {add = true} : memref<100352xf32, #tpu.memory_space<vmem>>[vector<16xi32>], vector<16xf32>,
      %mul3A_141 = arith.constant 128 : i32
      %mul3A_142 = arith.muli %scan3A_80, %mul3A_141 : i32
      %add3A_143 = arith.constant 96 : i32
      %add3A_144 = arith.addi %mul3A_142, %add3A_143 : i32
      %add3A_145 = arith.constant 8192 : i32
      %add3A_146 = arith.addi %add3A_145, %add3A_144 : i32
      %get3A_147 = arith.index_cast %add3A_146 : i32 to index
      %get3A_148 = tpu.vector_load %arg6[%get3A_147] {strides = array<i32>} : memref<16384xi32, #tpu.memory_space<vmem>>, vector<16xi32>,
      %get3A_149 = arith.index_cast %add3A_144 : i32 to index
      %get3A_150 = tpu.vector_load %arg7[%get3A_149] {strides = array<i32>} : memref<8192xf32, #tpu.memory_space<vmem>>, vector<16xf32>,
      tpu.vector_store_idx %arg5[%get3A_148], %get3A_150 {add = true} : memref<100352xf32, #tpu.memory_space<vmem>>[vector<16xi32>], vector<16xf32>,
      %mul3A_151 = arith.constant 128 : i32
      %mul3A_152 = arith.muli %scan3A_80, %mul3A_151 : i32
      %add3A_153 = arith.constant 112 : i32
      %add3A_154 = arith.addi %mul3A_152, %add3A_153 : i32
      %add3A_155 = arith.constant 8192 : i32
      %add3A_156 = arith.addi %add3A_155, %add3A_154 : i32
      %get3A_157 = arith.index_cast %add3A_156 : i32 to index
      %get3A_158 = tpu.vector_load %arg6[%get3A_157] {strides = array<i32>} : memref<16384xi32, #tpu.memory_space<vmem>>, vector<16xi32>,
      %get3A_159 = arith.index_cast %add3A_154 : i32 to index
      %get3A_160 = tpu.vector_load %arg7[%get3A_159] {strides = array<i32>} : memref<8192xf32, #tpu.memory_space<vmem>>, vector<16xf32>,
      tpu.vector_store_idx %arg5[%get3A_158], %get3A_160 {add = true} : memref<100352xf32, #tpu.memory_space<vmem>>[vector<16xi32>], vector<16xf32>,
      %scan3A_161 = arith.constant 0 : i32
      scf.yield %scan3A_161 : i32
    }
    %scan3A_25 = arith.constant 64 : i32
    "tpu.region"() ({
      %run_scoped3A = tpu.sem_alloc : memref<!tpu.dma_semaphore, #tpu.memory_space<semaphore_mem>>
      %dma_start3A = arith.constant 0 : i32
      %dma_start3A_80 = tpu.memref_slice %arg4[%add3A_11, %dma_start3A] : memref<128x100352xf32, #tpu.memory_space<hbm>> -> memref<1x100352xf32, #tpu.memory_space<hbm>>
      %dma_start3A_81 = tpu.memref_squeeze %dma_start3A_80 : memref<1x100352xf32, #tpu.memory_space<hbm>> -> memref<100352xf32, #tpu.memory_space<hbm>>
      %dma_start3A_82 = arith.constant 0 : i32
      %dma_start3A_83 = tpu.memref_slice %arg4[%add3A_11, %dma_start3A_82] : memref<128x100352xf32, #tpu.memory_space<hbm>> -> memref<1x100352xf32, #tpu.memory_space<hbm>>
      %dma_start3A_84 = tpu.memref_squeeze %dma_start3A_83 : memref<1x100352xf32, #tpu.memory_space<hbm>> -> memref<100352xf32, #tpu.memory_space<hbm>>
      tpu.enqueue_dma source(%arg5 : memref<100352xf32, #tpu.memory_space<vmem>>) target(%dma_start3A_84 : memref<100352xf32, #tpu.memory_space<hbm>>) target_semaphore(%run_scoped3A : memref<!tpu.dma_semaphore, #tpu.memory_space<semaphore_mem>>)
      %dma_wait3A = arith.constant 0 : i32
      %dma_wait3A_85 = tpu.memref_slice %arg4[%add3A_11, %dma_wait3A] : memref<128x100352xf32, #tpu.memory_space<hbm>> -> memref<1x100352xf32, #tpu.memory_space<hbm>>
      %dma_wait3A_86 = tpu.memref_squeeze %dma_wait3A_85 : memref<1x100352xf32, #tpu.memory_space<hbm>> -> memref<100352xf32, #tpu.memory_space<hbm>>
      %dma_wait3A_87 = arith.constant 0 : i32
      %dma_wait3A_88 = tpu.memref_slice %arg4[%add3A_11, %dma_wait3A_87] : memref<128x100352xf32, #tpu.memory_space<hbm>> -> memref<1x100352xf32, #tpu.memory_space<hbm>>
      %dma_wait3A_89 = tpu.memref_squeeze %dma_wait3A_88 : memref<1x100352xf32, #tpu.memory_space<hbm>> -> memref<100352xf32, #tpu.memory_space<hbm>>
      tpu.wait_dma2 semaphore(%run_scoped3A : memref<!tpu.dma_semaphore, #tpu.memory_space<semaphore_mem>>) src(%arg5 : memref<100352xf32, #tpu.memory_space<vmem>>) dst(%dma_wait3A_89 : memref<100352xf32, #tpu.memory_space<hbm>>)
      tpu.yield
    }) : () -> ()
    %mul3A_26 = arith.constant 4 : i32
    %mul3A_27 = arith.muli %add3A, %mul3A_26 : i32
    %add3A_28 = arith.constant 1 : i32
    %add3A_29 = arith.addi %mul3A_27, %add3A_28 : i32
    "tpu.region"() ({
      %run_scoped3A = tpu.sem_alloc : memref<!tpu.dma_semaphore, #tpu.memory_space<semaphore_mem>>
      %dma_start3A = arith.constant 0 : i32
      %dma_start3A_80 = tpu.memref_slice %arg2[%add3A_29, %dma_start3A] : memref<128x16384xi32, #tpu.memory_space<hbm>> -> memref<1x16384xi32, #tpu.memory_space<hbm>>
      %dma_start3A_81 = tpu.memref_squeeze %dma_start3A_80 : memref<1x16384xi32, #tpu.memory_space<hbm>> -> memref<16384xi32, #tpu.memory_space<hbm>>
      %dma_start3A_82 = arith.constant 0 : i32
      %dma_start3A_83 = tpu.memref_slice %arg2[%add3A_29, %dma_start3A_82] : memref<128x16384xi32, #tpu.memory_space<hbm>> -> memref<1x16384xi32, #tpu.memory_space<hbm>>
      %dma_start3A_84 = tpu.memref_squeeze %dma_start3A_83 : memref<1x16384xi32, #tpu.memory_space<hbm>> -> memref<16384xi32, #tpu.memory_space<hbm>>
      tpu.enqueue_dma source(%dma_start3A_84 : memref<16384xi32, #tpu.memory_space<hbm>>) target(%arg6 : memref<16384xi32, #tpu.memory_space<vmem>>) target_semaphore(%run_scoped3A : memref<!tpu.dma_semaphore, #tpu.memory_space<semaphore_mem>>)
      %dma_wait3A = arith.constant 0 : i32
      %dma_wait3A_85 = tpu.memref_slice %arg2[%add3A_29, %dma_wait3A] : memref<128x16384xi32, #tpu.memory_space<hbm>> -> memref<1x16384xi32, #tpu.memory_space<hbm>>
      %dma_wait3A_86 = tpu.memref_squeeze %dma_wait3A_85 : memref<1x16384xi32, #tpu.memory_space<hbm>> -> memref<16384xi32, #tpu.memory_space<hbm>>
      %dma_wait3A_87 = arith.constant 0 : i32
      %dma_wait3A_88 = tpu.memref_slice %arg2[%add3A_29, %dma_wait3A_87] : memref<128x16384xi32, #tpu.memory_space<hbm>> -> memref<1x16384xi32, #tpu.memory_space<hbm>>
      %dma_wait3A_89 = tpu.memref_squeeze %dma_wait3A_88 : memref<1x16384xi32, #tpu.memory_space<hbm>> -> memref<16384xi32, #tpu.memory_space<hbm>>
      tpu.wait_dma2 semaphore(%run_scoped3A : memref<!tpu.dma_semaphore, #tpu.memory_space<semaphore_mem>>) src(%dma_wait3A_89 : memref<16384xi32, #tpu.memory_space<hbm>>) dst(%arg6 : memref<16384xi32, #tpu.memory_space<vmem>>)
      tpu.yield
    }) : () -> ()
    "tpu.region"() ({
      %run_scoped3A = tpu.sem_alloc : memref<!tpu.dma_semaphore, #tpu.memory_space<semaphore_mem>>
      %dma_start3A = arith.constant 0 : i32
      %dma_start3A_80 = tpu.memref_slice %arg3[%add3A_29, %dma_start3A] : memref<128x16384xf32, #tpu.memory_space<hbm>> -> memref<1x8192xf32, #tpu.memory_space<hbm>>
      %dma_start3A_81 = tpu.memref_squeeze %dma_start3A_80 : memref<1x8192xf32, #tpu.memory_space<hbm>> -> memref<8192xf32, #tpu.memory_space<hbm>>
      %dma_start3A_82 = arith.constant 0 : i32
      %dma_start3A_83 = tpu.memref_slice %arg3[%add3A_29, %dma_start3A_82] : memref<128x16384xf32, #tpu.memory_space<hbm>> -> memref<1x8192xf32, #tpu.memory_space<hbm>>
      %dma_start3A_84 = tpu.memref_squeeze %dma_start3A_83 : memref<1x8192xf32, #tpu.memory_space<hbm>> -> memref<8192xf32, #tpu.memory_space<hbm>>
      tpu.enqueue_dma source(%dma_start3A_84 : memref<8192xf32, #tpu.memory_space<hbm>>) target(%arg7 : memref<8192xf32, #tpu.memory_space<vmem>>) target_semaphore(%run_scoped3A : memref<!tpu.dma_semaphore, #tpu.memory_space<semaphore_mem>>)
      %dma_wait3A = arith.constant 0 : i32
      %dma_wait3A_85 = tpu.memref_slice %arg3[%add3A_29, %dma_wait3A] : memref<128x16384xf32, #tpu.memory_space<hbm>> -> memref<1x8192xf32, #tpu.memory_space<hbm>>
      %dma_wait3A_86 = tpu.memref_squeeze %dma_wait3A_85 : memref<1x8192xf32, #tpu.memory_space<hbm>> -> memref<8192xf32, #tpu.memory_space<hbm>>
      %dma_wait3A_87 = arith.constant 0 : i32
      %dma_wait3A_88 = tpu.memref_slice %arg3[%add3A_29, %dma_wait3A_87] : memref<128x16384xf32, #tpu.memory_space<hbm>> -> memref<1x8192xf32, #tpu.memory_space<hbm>>
      %dma_wait3A_89 = tpu.memref_squeeze %dma_wait3A_88 : memref<1x8192xf32, #tpu.memory_space<hbm>> -> memref<8192xf32, #tpu.memory_space<hbm>>
      tpu.wait_dma2 semaphore(%run_scoped3A : memref<!tpu.dma_semaphore, #tpu.memory_space<semaphore_mem>>) src(%dma_wait3A_89 : memref<8192xf32, #tpu.memory_space<hbm>>) dst(%arg7 : memref<8192xf32, #tpu.memory_space<vmem>>)
      tpu.yield
    }) : () -> ()
    %scan3A_30 = arith.constant 0 : i32
    %scan3A_31 = arith.constant 0 : i32
    %scan3A_32 = arith.constant 64 : i32
    %scan3A_33 = arith.addi %scan3A_31, %scan3A_32 : i32
    %scan3A_34 = arith.constant 1 : i32
    %scan3A_35 = scf.for %scan3A_80 = %scan3A_31 to %scan3A_33 step %scan3A_34 iter_args(%scan3A_81 = %scan3A_30) -> (i32)  : i32 {
      %mul3A_82 = arith.constant 128 : i32
      %mul3A_83 = arith.muli %scan3A_80, %mul3A_82 : i32
      %add3A_84 = arith.constant 0 : i32
      %add3A_85 = arith.addi %mul3A_83, %add3A_84 : i32
      %add3A_86 = arith.constant 0 : i32
      %add3A_87 = arith.addi %add3A_86, %add3A_85 : i32
      %get3A = arith.index_cast %add3A_87 : i32 to index
      %get3A_88 = tpu.vector_load %arg6[%get3A] {strides = array<i32>} : memref<16384xi32, #tpu.memory_space<vmem>>, vector<16xi32>,
      %get3A_89 = arith.index_cast %add3A_85 : i32 to index
      %get3A_90 = tpu.vector_load %arg7[%get3A_89] {strides = array<i32>} : memref<8192xf32, #tpu.memory_space<vmem>>, vector<16xf32>,
      tpu.vector_store_idx %arg5[%get3A_88], %get3A_90 {add = true} : memref<100352xf32, #tpu.memory_space<vmem>>[vector<16xi32>], vector<16xf32>,
      %mul3A_91 = arith.constant 128 : i32
      %mul3A_92 = arith.muli %scan3A_80, %mul3A_91 : i32
      %add3A_93 = arith.constant 16 : i32
      %add3A_94 = arith.addi %mul3A_92, %add3A_93 : i32
      %add3A_95 = arith.constant 0 : i32
      %add3A_96 = arith.addi %add3A_95, %add3A_94 : i32
      %get3A_97 = arith.index_cast %add3A_96 : i32 to index
      %get3A_98 = tpu.vector_load %arg6[%get3A_97] {strides = array<i32>} : memref<16384xi32, #tpu.memory_space<vmem>>, vector<16xi32>,
      %get3A_99 = arith.index_cast %add3A_94 : i32 to index
      %get3A_100 = tpu.vector_load %arg7[%get3A_99] {strides = array<i32>} : memref<8192xf32, #tpu.memory_space<vmem>>, vector<16xf32>,
      tpu.vector_store_idx %arg5[%get3A_98], %get3A_100 {add = true} : memref<100352xf32, #tpu.memory_space<vmem>>[vector<16xi32>], vector<16xf32>,
      %mul3A_101 = arith.constant 128 : i32
      %mul3A_102 = arith.muli %scan3A_80, %mul3A_101 : i32
      %add3A_103 = arith.constant 32 : i32
      %add3A_104 = arith.addi %mul3A_102, %add3A_103 : i32
      %add3A_105 = arith.constant 0 : i32
      %add3A_106 = arith.addi %add3A_105, %add3A_104 : i32
      %get3A_107 = arith.index_cast %add3A_106 : i32 to index
      %get3A_108 = tpu.vector_load %arg6[%get3A_107] {strides = array<i32>} : memref<16384xi32, #tpu.memory_space<vmem>>, vector<16xi32>,
      %get3A_109 = arith.index_cast %add3A_104 : i32 to index
      %get3A_110 = tpu.vector_load %arg7[%get3A_109] {strides = array<i32>} : memref<8192xf32, #tpu.memory_space<vmem>>, vector<16xf32>,
      tpu.vector_store_idx %arg5[%get3A_108], %get3A_110 {add = true} : memref<100352xf32, #tpu.memory_space<vmem>>[vector<16xi32>], vector<16xf32>,
      %mul3A_111 = arith.constant 128 : i32
      %mul3A_112 = arith.muli %scan3A_80, %mul3A_111 : i32
      %add3A_113 = arith.constant 48 : i32
      %add3A_114 = arith.addi %mul3A_112, %add3A_113 : i32
      %add3A_115 = arith.constant 0 : i32
      %add3A_116 = arith.addi %add3A_115, %add3A_114 : i32
      %get3A_117 = arith.index_cast %add3A_116 : i32 to index
      %get3A_118 = tpu.vector_load %arg6[%get3A_117] {strides = array<i32>} : memref<16384xi32, #tpu.memory_space<vmem>>, vector<16xi32>,
      %get3A_119 = arith.index_cast %add3A_114 : i32 to index
      %get3A_120 = tpu.vector_load %arg7[%get3A_119] {strides = array<i32>} : memref<8192xf32, #tpu.memory_space<vmem>>, vector<16xf32>,
      tpu.vector_store_idx %arg5[%get3A_118], %get3A_120 {add = true} : memref<100352xf32, #tpu.memory_space<vmem>>[vector<16xi32>], vector<16xf32>,
      %mul3A_121 = arith.constant 128 : i32
      %mul3A_122 = arith.muli %scan3A_80, %mul3A_121 : i32
      %add3A_123 = arith.constant 64 : i32
      %add3A_124 = arith.addi %mul3A_122, %add3A_123 : i32
      %add3A_125 = arith.constant 0 : i32
      %add3A_126 = arith.addi %add3A_125, %add3A_124 : i32
      %get3A_127 = arith.index_cast %add3A_126 : i32 to index
      %get3A_128 = tpu.vector_load %arg6[%get3A_127] {strides = array<i32>} : memref<16384xi32, #tpu.memory_space<vmem>>, vector<16xi32>,
      %get3A_129 = arith.index_cast %add3A_124 : i32 to index
      %get3A_130 = tpu.vector_load %arg7[%get3A_129] {strides = array<i32>} : memref<8192xf32, #tpu.memory_space<vmem>>, vector<16xf32>,
      tpu.vector_store_idx %arg5[%get3A_128], %get3A_130 {add = true} : memref<100352xf32, #tpu.memory_space<vmem>>[vector<16xi32>], vector<16xf32>,
      %mul3A_131 = arith.constant 128 : i32
      %mul3A_132 = arith.muli %scan3A_80, %mul3A_131 : i32
      %add3A_133 = arith.constant 80 : i32
      %add3A_134 = arith.addi %mul3A_132, %add3A_133 : i32
      %add3A_135 = arith.constant 0 : i32
      %add3A_136 = arith.addi %add3A_135, %add3A_134 : i32
      %get3A_137 = arith.index_cast %add3A_136 : i32 to index
      %get3A_138 = tpu.vector_load %arg6[%get3A_137] {strides = array<i32>} : memref<16384xi32, #tpu.memory_space<vmem>>, vector<16xi32>,
      %get3A_139 = arith.index_cast %add3A_134 : i32 to index
      %get3A_140 = tpu.vector_load %arg7[%get3A_139] {strides = array<i32>} : memref<8192xf32, #tpu.memory_space<vmem>>, vector<16xf32>,
      tpu.vector_store_idx %arg5[%get3A_138], %get3A_140 {add = true} : memref<100352xf32, #tpu.memory_space<vmem>>[vector<16xi32>], vector<16xf32>,
      %mul3A_141 = arith.constant 128 : i32
      %mul3A_142 = arith.muli %scan3A_80, %mul3A_141 : i32
      %add3A_143 = arith.constant 96 : i32
      %add3A_144 = arith.addi %mul3A_142, %add3A_143 : i32
      %add3A_145 = arith.constant 0 : i32
      %add3A_146 = arith.addi %add3A_145, %add3A_144 : i32
      %get3A_147 = arith.index_cast %add3A_146 : i32 to index
      %get3A_148 = tpu.vector_load %arg6[%get3A_147] {strides = array<i32>} : memref<16384xi32, #tpu.memory_space<vmem>>, vector<16xi32>,
      %get3A_149 = arith.index_cast %add3A_144 : i32 to index
      %get3A_150 = tpu.vector_load %arg7[%get3A_149] {strides = array<i32>} : memref<8192xf32, #tpu.memory_space<vmem>>, vector<16xf32>,
      tpu.vector_store_idx %arg5[%get3A_148], %get3A_150 {add = true} : memref<100352xf32, #tpu.memory_space<vmem>>[vector<16xi32>], vector<16xf32>,
      %mul3A_151 = arith.constant 128 : i32
      %mul3A_152 = arith.muli %scan3A_80, %mul3A_151 : i32
      %add3A_153 = arith.constant 112 : i32
      %add3A_154 = arith.addi %mul3A_152, %add3A_153 : i32
      %add3A_155 = arith.constant 0 : i32
      %add3A_156 = arith.addi %add3A_155, %add3A_154 : i32
      %get3A_157 = arith.index_cast %add3A_156 : i32 to index
      %get3A_158 = tpu.vector_load %arg6[%get3A_157] {strides = array<i32>} : memref<16384xi32, #tpu.memory_space<vmem>>, vector<16xi32>,
      %get3A_159 = arith.index_cast %add3A_154 : i32 to index
      %get3A_160 = tpu.vector_load %arg7[%get3A_159] {strides = array<i32>} : memref<8192xf32, #tpu.memory_space<vmem>>, vector<16xf32>,
      tpu.vector_store_idx %arg5[%get3A_158], %get3A_160 {add = true} : memref<100352xf32, #tpu.memory_space<vmem>>[vector<16xi32>], vector<16xf32>,
      %scan3A_161 = arith.constant 0 : i32
      scf.yield %scan3A_161 : i32
    }
    %scan3A_36 = arith.constant 64 : i32
    "tpu.region"() ({
      %run_scoped3A = tpu.sem_alloc : memref<!tpu.dma_semaphore, #tpu.memory_space<semaphore_mem>>
      %dma_start3A = arith.constant 8192 : i32
      %dma_start3A_80 = tpu.memref_slice %arg3[%add3A_29, %dma_start3A] : memref<128x16384xf32, #tpu.memory_space<hbm>> -> memref<1x8192xf32, #tpu.memory_space<hbm>>
      %dma_start3A_81 = tpu.memref_squeeze %dma_start3A_80 : memref<1x8192xf32, #tpu.memory_space<hbm>> -> memref<8192xf32, #tpu.memory_space<hbm>>
      %dma_start3A_82 = arith.constant 8192 : i32
      %dma_start3A_83 = tpu.memref_slice %arg3[%add3A_29, %dma_start3A_82] : memref<128x16384xf32, #tpu.memory_space<hbm>> -> memref<1x8192xf32, #tpu.memory_space<hbm>>
      %dma_start3A_84 = tpu.memref_squeeze %dma_start3A_83 : memref<1x8192xf32, #tpu.memory_space<hbm>> -> memref<8192xf32, #tpu.memory_space<hbm>>
      tpu.enqueue_dma source(%dma_start3A_84 : memref<8192xf32, #tpu.memory_space<hbm>>) target(%arg7 : memref<8192xf32, #tpu.memory_space<vmem>>) target_semaphore(%run_scoped3A : memref<!tpu.dma_semaphore, #tpu.memory_space<semaphore_mem>>)
      %dma_wait3A = arith.constant 8192 : i32
      %dma_wait3A_85 = tpu.memref_slice %arg3[%add3A_29, %dma_wait3A] : memref<128x16384xf32, #tpu.memory_space<hbm>> -> memref<1x8192xf32, #tpu.memory_space<hbm>>
      %dma_wait3A_86 = tpu.memref_squeeze %dma_wait3A_85 : memref<1x8192xf32, #tpu.memory_space<hbm>> -> memref<8192xf32, #tpu.memory_space<hbm>>
      %dma_wait3A_87 = arith.constant 8192 : i32
      %dma_wait3A_88 = tpu.memref_slice %arg3[%add3A_29, %dma_wait3A_87] : memref<128x16384xf32, #tpu.memory_space<hbm>> -> memref<1x8192xf32, #tpu.memory_space<hbm>>
      %dma_wait3A_89 = tpu.memref_squeeze %dma_wait3A_88 : memref<1x8192xf32, #tpu.memory_space<hbm>> -> memref<8192xf32, #tpu.memory_space<hbm>>
      tpu.wait_dma2 semaphore(%run_scoped3A : memref<!tpu.dma_semaphore, #tpu.memory_space<semaphore_mem>>) src(%dma_wait3A_89 : memref<8192xf32, #tpu.memory_space<hbm>>) dst(%arg7 : memref<8192xf32, #tpu.memory_space<vmem>>)
      tpu.yield
    }) : () -> ()
    %scan3A_37 = arith.constant 0 : i32
    %scan3A_38 = arith.constant 0 : i32
    %scan3A_39 = arith.constant 64 : i32
    %scan3A_40 = arith.addi %scan3A_38, %scan3A_39 : i32
    %scan3A_41 = arith.constant 1 : i32
    %scan3A_42 = scf.for %scan3A_80 = %scan3A_38 to %scan3A_40 step %scan3A_41 iter_args(%scan3A_81 = %scan3A_37) -> (i32)  : i32 {
      %mul3A_82 = arith.constant 128 : i32
      %mul3A_83 = arith.muli %scan3A_80, %mul3A_82 : i32
      %add3A_84 = arith.constant 0 : i32
      %add3A_85 = arith.addi %mul3A_83, %add3A_84 : i32
      %add3A_86 = arith.constant 8192 : i32
      %add3A_87 = arith.addi %add3A_86, %add3A_85 : i32
      %get3A = arith.index_cast %add3A_87 : i32 to index
      %get3A_88 = tpu.vector_load %arg6[%get3A] {strides = array<i32>} : memref<16384xi32, #tpu.memory_space<vmem>>, vector<16xi32>,
      %get3A_89 = arith.index_cast %add3A_85 : i32 to index
      %get3A_90 = tpu.vector_load %arg7[%get3A_89] {strides = array<i32>} : memref<8192xf32, #tpu.memory_space<vmem>>, vector<16xf32>,
      tpu.vector_store_idx %arg5[%get3A_88], %get3A_90 {add = true} : memref<100352xf32, #tpu.memory_space<vmem>>[vector<16xi32>], vector<16xf32>,
      %mul3A_91 = arith.constant 128 : i32
      %mul3A_92 = arith.muli %scan3A_80, %mul3A_91 : i32
      %add3A_93 = arith.constant 16 : i32
      %add3A_94 = arith.addi %mul3A_92, %add3A_93 : i32
      %add3A_95 = arith.constant 8192 : i32
      %add3A_96 = arith.addi %add3A_95, %add3A_94 : i32
      %get3A_97 = arith.index_cast %add3A_96 : i32 to index
      %get3A_98 = tpu.vector_load %arg6[%get3A_97] {strides = array<i32>} : memref<16384xi32, #tpu.memory_space<vmem>>, vector<16xi32>,
      %get3A_99 = arith.index_cast %add3A_94 : i32 to index
      %get3A_100 = tpu.vector_load %arg7[%get3A_99] {strides = array<i32>} : memref<8192xf32, #tpu.memory_space<vmem>>, vector<16xf32>,
      tpu.vector_store_idx %arg5[%get3A_98], %get3A_100 {add = true} : memref<100352xf32, #tpu.memory_space<vmem>>[vector<16xi32>], vector<16xf32>,
      %mul3A_101 = arith.constant 128 : i32
      %mul3A_102 = arith.muli %scan3A_80, %mul3A_101 : i32
      %add3A_103 = arith.constant 32 : i32
      %add3A_104 = arith.addi %mul3A_102, %add3A_103 : i32
      %add3A_105 = arith.constant 8192 : i32
      %add3A_106 = arith.addi %add3A_105, %add3A_104 : i32
      %get3A_107 = arith.index_cast %add3A_106 : i32 to index
      %get3A_108 = tpu.vector_load %arg6[%get3A_107] {strides = array<i32>} : memref<16384xi32, #tpu.memory_space<vmem>>, vector<16xi32>,
      %get3A_109 = arith.index_cast %add3A_104 : i32 to index
      %get3A_110 = tpu.vector_load %arg7[%get3A_109] {strides = array<i32>} : memref<8192xf32, #tpu.memory_space<vmem>>, vector<16xf32>,
      tpu.vector_store_idx %arg5[%get3A_108], %get3A_110 {add = true} : memref<100352xf32, #tpu.memory_space<vmem>>[vector<16xi32>], vector<16xf32>,
      %mul3A_111 = arith.constant 128 : i32
      %mul3A_112 = arith.muli %scan3A_80, %mul3A_111 : i32
      %add3A_113 = arith.constant 48 : i32
      %add3A_114 = arith.addi %mul3A_112, %add3A_113 : i32
      %add3A_115 = arith.constant 8192 : i32
      %add3A_116 = arith.addi %add3A_115, %add3A_114 : i32
      %get3A_117 = arith.index_cast %add3A_116 : i32 to index
      %get3A_118 = tpu.vector_load %arg6[%get3A_117] {strides = array<i32>} : memref<16384xi32, #tpu.memory_space<vmem>>, vector<16xi32>,
      %get3A_119 = arith.index_cast %add3A_114 : i32 to index
      %get3A_120 = tpu.vector_load %arg7[%get3A_119] {strides = array<i32>} : memref<8192xf32, #tpu.memory_space<vmem>>, vector<16xf32>,
      tpu.vector_store_idx %arg5[%get3A_118], %get3A_120 {add = true} : memref<100352xf32, #tpu.memory_space<vmem>>[vector<16xi32>], vector<16xf32>,
      %mul3A_121 = arith.constant 128 : i32
      %mul3A_122 = arith.muli %scan3A_80, %mul3A_121 : i32
      %add3A_123 = arith.constant 64 : i32
      %add3A_124 = arith.addi %mul3A_122, %add3A_123 : i32
      %add3A_125 = arith.constant 8192 : i32
      %add3A_126 = arith.addi %add3A_125, %add3A_124 : i32
      %get3A_127 = arith.index_cast %add3A_126 : i32 to index
      %get3A_128 = tpu.vector_load %arg6[%get3A_127] {strides = array<i32>} : memref<16384xi32, #tpu.memory_space<vmem>>, vector<16xi32>,
      %get3A_129 = arith.index_cast %add3A_124 : i32 to index
      %get3A_130 = tpu.vector_load %arg7[%get3A_129] {strides = array<i32>} : memref<8192xf32, #tpu.memory_space<vmem>>, vector<16xf32>,
      tpu.vector_store_idx %arg5[%get3A_128], %get3A_130 {add = true} : memref<100352xf32, #tpu.memory_space<vmem>>[vector<16xi32>], vector<16xf32>,
      %mul3A_131 = arith.constant 128 : i32
      %mul3A_132 = arith.muli %scan3A_80, %mul3A_131 : i32
      %add3A_133 = arith.constant 80 : i32
      %add3A_134 = arith.addi %mul3A_132, %add3A_133 : i32
      %add3A_135 = arith.constant 8192 : i32
      %add3A_136 = arith.addi %add3A_135, %add3A_134 : i32
      %get3A_137 = arith.index_cast %add3A_136 : i32 to index
      %get3A_138 = tpu.vector_load %arg6[%get3A_137] {strides = array<i32>} : memref<16384xi32, #tpu.memory_space<vmem>>, vector<16xi32>,
      %get3A_139 = arith.index_cast %add3A_134 : i32 to index
      %get3A_140 = tpu.vector_load %arg7[%get3A_139] {strides = array<i32>} : memref<8192xf32, #tpu.memory_space<vmem>>, vector<16xf32>,
      tpu.vector_store_idx %arg5[%get3A_138], %get3A_140 {add = true} : memref<100352xf32, #tpu.memory_space<vmem>>[vector<16xi32>], vector<16xf32>,
      %mul3A_141 = arith.constant 128 : i32
      %mul3A_142 = arith.muli %scan3A_80, %mul3A_141 : i32
      %add3A_143 = arith.constant 96 : i32
      %add3A_144 = arith.addi %mul3A_142, %add3A_143 : i32
      %add3A_145 = arith.constant 8192 : i32
      %add3A_146 = arith.addi %add3A_145, %add3A_144 : i32
      %get3A_147 = arith.index_cast %add3A_146 : i32 to index
      %get3A_148 = tpu.vector_load %arg6[%get3A_147] {strides = array<i32>} : memref<16384xi32, #tpu.memory_space<vmem>>, vector<16xi32>,
      %get3A_149 = arith.index_cast %add3A_144 : i32 to index
      %get3A_150 = tpu.vector_load %arg7[%get3A_149] {strides = array<i32>} : memref<8192xf32, #tpu.memory_space<vmem>>, vector<16xf32>,
      tpu.vector_store_idx %arg5[%get3A_148], %get3A_150 {add = true} : memref<100352xf32, #tpu.memory_space<vmem>>[vector<16xi32>], vector<16xf32>,
      %mul3A_151 = arith.constant 128 : i32
      %mul3A_152 = arith.muli %scan3A_80, %mul3A_151 : i32
      %add3A_153 = arith.constant 112 : i32
      %add3A_154 = arith.addi %mul3A_152, %add3A_153 : i32
      %add3A_155 = arith.constant 8192 : i32
      %add3A_156 = arith.addi %add3A_155, %add3A_154 : i32
      %get3A_157 = arith.index_cast %add3A_156 : i32 to index
      %get3A_158 = tpu.vector_load %arg6[%get3A_157] {strides = array<i32>} : memref<16384xi32, #tpu.memory_space<vmem>>, vector<16xi32>,
      %get3A_159 = arith.index_cast %add3A_154 : i32 to index
      %get3A_160 = tpu.vector_load %arg7[%get3A_159] {strides = array<i32>} : memref<8192xf32, #tpu.memory_space<vmem>>, vector<16xf32>,
      tpu.vector_store_idx %arg5[%get3A_158], %get3A_160 {add = true} : memref<100352xf32, #tpu.memory_space<vmem>>[vector<16xi32>], vector<16xf32>,
      %scan3A_161 = arith.constant 0 : i32
      scf.yield %scan3A_161 : i32
    }
    %scan3A_43 = arith.constant 64 : i32
    "tpu.region"() ({
      %run_scoped3A = tpu.sem_alloc : memref<!tpu.dma_semaphore, #tpu.memory_space<semaphore_mem>>
      %dma_start3A = arith.constant 0 : i32
      %dma_start3A_80 = tpu.memref_slice %arg4[%add3A_29, %dma_start3A] : memref<128x100352xf32, #tpu.memory_space<hbm>> -> memref<1x100352xf32, #tpu.memory_space<hbm>>
      %dma_start3A_81 = tpu.memref_squeeze %dma_start3A_80 : memref<1x100352xf32, #tpu.memory_space<hbm>> -> memref<100352xf32, #tpu.memory_space<hbm>>
      %dma_start3A_82 = arith.constant 0 : i32
      %dma_start3A_83 = tpu.memref_slice %arg4[%add3A_29, %dma_start3A_82] : memref<128x100352xf32, #tpu.memory_space<hbm>> -> memref<1x100352xf32, #tpu.memory_space<hbm>>
      %dma_start3A_84 = tpu.memref_squeeze %dma_start3A_83 : memref<1x100352xf32, #tpu.memory_space<hbm>> -> memref<100352xf32, #tpu.memory_space<hbm>>
      tpu.enqueue_dma source(%arg5 : memref<100352xf32, #tpu.memory_space<vmem>>) target(%dma_start3A_84 : memref<100352xf32, #tpu.memory_space<hbm>>) target_semaphore(%run_scoped3A : memref<!tpu.dma_semaphore, #tpu.memory_space<semaphore_mem>>)
      %dma_wait3A = arith.constant 0 : i32
      %dma_wait3A_85 = tpu.memref_slice %arg4[%add3A_29, %dma_wait3A] : memref<128x100352xf32, #tpu.memory_space<hbm>> -> memref<1x100352xf32, #tpu.memory_space<hbm>>
      %dma_wait3A_86 = tpu.memref_squeeze %dma_wait3A_85 : memref<1x100352xf32, #tpu.memory_space<hbm>> -> memref<100352xf32, #tpu.memory_space<hbm>>
      %dma_wait3A_87 = arith.constant 0 : i32
      %dma_wait3A_88 = tpu.memref_slice %arg4[%add3A_29, %dma_wait3A_87] : memref<128x100352xf32, #tpu.memory_space<hbm>> -> memref<1x100352xf32, #tpu.memory_space<hbm>>
      %dma_wait3A_89 = tpu.memref_squeeze %dma_wait3A_88 : memref<1x100352xf32, #tpu.memory_space<hbm>> -> memref<100352xf32, #tpu.memory_space<hbm>>
      tpu.wait_dma2 semaphore(%run_scoped3A : memref<!tpu.dma_semaphore, #tpu.memory_space<semaphore_mem>>) src(%arg5 : memref<100352xf32, #tpu.memory_space<vmem>>) dst(%dma_wait3A_89 : memref<100352xf32, #tpu.memory_space<hbm>>)
      tpu.yield
    }) : () -> ()
    %mul3A_44 = arith.constant 4 : i32
    %mul3A_45 = arith.muli %add3A, %mul3A_44 : i32
    %add3A_46 = arith.constant 2 : i32
    %add3A_47 = arith.addi %mul3A_45, %add3A_46 : i32
    "tpu.region"() ({
      %run_scoped3A = tpu.sem_alloc : memref<!tpu.dma_semaphore, #tpu.memory_space<semaphore_mem>>
      %dma_start3A = arith.constant 0 : i32
      %dma_start3A_80 = tpu.memref_slice %arg2[%add3A_47, %dma_start3A] : memref<128x16384xi32, #tpu.memory_space<hbm>> -> memref<1x16384xi32, #tpu.memory_space<hbm>>
      %dma_start3A_81 = tpu.memref_squeeze %dma_start3A_80 : memref<1x16384xi32, #tpu.memory_space<hbm>> -> memref<16384xi32, #tpu.memory_space<hbm>>
      %dma_start3A_82 = arith.constant 0 : i32
      %dma_start3A_83 = tpu.memref_slice %arg2[%add3A_47, %dma_start3A_82] : memref<128x16384xi32, #tpu.memory_space<hbm>> -> memref<1x16384xi32, #tpu.memory_space<hbm>>
      %dma_start3A_84 = tpu.memref_squeeze %dma_start3A_83 : memref<1x16384xi32, #tpu.memory_space<hbm>> -> memref<16384xi32, #tpu.memory_space<hbm>>
      tpu.enqueue_dma source(%dma_start3A_84 : memref<16384xi32, #tpu.memory_space<hbm>>) target(%arg6 : memref<16384xi32, #tpu.memory_space<vmem>>) target_semaphore(%run_scoped3A : memref<!tpu.dma_semaphore, #tpu.memory_space<semaphore_mem>>)
      %dma_wait3A = arith.constant 0 : i32
      %dma_wait3A_85 = tpu.memref_slice %arg2[%add3A_47, %dma_wait3A] : memref<128x16384xi32, #tpu.memory_space<hbm>> -> memref<1x16384xi32, #tpu.memory_space<hbm>>
      %dma_wait3A_86 = tpu.memref_squeeze %dma_wait3A_85 : memref<1x16384xi32, #tpu.memory_space<hbm>> -> memref<16384xi32, #tpu.memory_space<hbm>>
      %dma_wait3A_87 = arith.constant 0 : i32
      %dma_wait3A_88 = tpu.memref_slice %arg2[%add3A_47, %dma_wait3A_87] : memref<128x16384xi32, #tpu.memory_space<hbm>> -> memref<1x16384xi32, #tpu.memory_space<hbm>>
      %dma_wait3A_89 = tpu.memref_squeeze %dma_wait3A_88 : memref<1x16384xi32, #tpu.memory_space<hbm>> -> memref<16384xi32, #tpu.memory_space<hbm>>
      tpu.wait_dma2 semaphore(%run_scoped3A : memref<!tpu.dma_semaphore, #tpu.memory_space<semaphore_mem>>) src(%dma_wait3A_89 : memref<16384xi32, #tpu.memory_space<hbm>>) dst(%arg6 : memref<16384xi32, #tpu.memory_space<vmem>>)
      tpu.yield
    }) : () -> ()
    "tpu.region"() ({
      %run_scoped3A = tpu.sem_alloc : memref<!tpu.dma_semaphore, #tpu.memory_space<semaphore_mem>>
      %dma_start3A = arith.constant 0 : i32
      %dma_start3A_80 = tpu.memref_slice %arg3[%add3A_47, %dma_start3A] : memref<128x16384xf32, #tpu.memory_space<hbm>> -> memref<1x8192xf32, #tpu.memory_space<hbm>>
      %dma_start3A_81 = tpu.memref_squeeze %dma_start3A_80 : memref<1x8192xf32, #tpu.memory_space<hbm>> -> memref<8192xf32, #tpu.memory_space<hbm>>
      %dma_start3A_82 = arith.constant 0 : i32
      %dma_start3A_83 = tpu.memref_slice %arg3[%add3A_47, %dma_start3A_82] : memref<128x16384xf32, #tpu.memory_space<hbm>> -> memref<1x8192xf32, #tpu.memory_space<hbm>>
      %dma_start3A_84 = tpu.memref_squeeze %dma_start3A_83 : memref<1x8192xf32, #tpu.memory_space<hbm>> -> memref<8192xf32, #tpu.memory_space<hbm>>
      tpu.enqueue_dma source(%dma_start3A_84 : memref<8192xf32, #tpu.memory_space<hbm>>) target(%arg7 : memref<8192xf32, #tpu.memory_space<vmem>>) target_semaphore(%run_scoped3A : memref<!tpu.dma_semaphore, #tpu.memory_space<semaphore_mem>>)
      %dma_wait3A = arith.constant 0 : i32
      %dma_wait3A_85 = tpu.memref_slice %arg3[%add3A_47, %dma_wait3A] : memref<128x16384xf32, #tpu.memory_space<hbm>> -> memref<1x8192xf32, #tpu.memory_space<hbm>>
      %dma_wait3A_86 = tpu.memref_squeeze %dma_wait3A_85 : memref<1x8192xf32, #tpu.memory_space<hbm>> -> memref<8192xf32, #tpu.memory_space<hbm>>
      %dma_wait3A_87 = arith.constant 0 : i32
      %dma_wait3A_88 = tpu.memref_slice %arg3[%add3A_47, %dma_wait3A_87] : memref<128x16384xf32, #tpu.memory_space<hbm>> -> memref<1x8192xf32, #tpu.memory_space<hbm>>
      %dma_wait3A_89 = tpu.memref_squeeze %dma_wait3A_88 : memref<1x8192xf32, #tpu.memory_space<hbm>> -> memref<8192xf32, #tpu.memory_space<hbm>>
      tpu.wait_dma2 semaphore(%run_scoped3A : memref<!tpu.dma_semaphore, #tpu.memory_space<semaphore_mem>>) src(%dma_wait3A_89 : memref<8192xf32, #tpu.memory_space<hbm>>) dst(%arg7 : memref<8192xf32, #tpu.memory_space<vmem>>)
      tpu.yield
    }) : () -> ()
    %scan3A_48 = arith.constant 0 : i32
    %scan3A_49 = arith.constant 0 : i32
    %scan3A_50 = arith.constant 64 : i32
    %scan3A_51 = arith.addi %scan3A_49, %scan3A_50 : i32
    %scan3A_52 = arith.constant 1 : i32
    %scan3A_53 = scf.for %scan3A_80 = %scan3A_49 to %scan3A_51 step %scan3A_52 iter_args(%scan3A_81 = %scan3A_48) -> (i32)  : i32 {
      %mul3A_82 = arith.constant 128 : i32
      %mul3A_83 = arith.muli %scan3A_80, %mul3A_82 : i32
      %add3A_84 = arith.constant 0 : i32
      %add3A_85 = arith.addi %mul3A_83, %add3A_84 : i32
      %add3A_86 = arith.constant 0 : i32
      %add3A_87 = arith.addi %add3A_86, %add3A_85 : i32
      %get3A = arith.index_cast %add3A_87 : i32 to index
      %get3A_88 = tpu.vector_load %arg6[%get3A] {strides = array<i32>} : memref<16384xi32, #tpu.memory_space<vmem>>, vector<16xi32>,
      %get3A_89 = arith.index_cast %add3A_85 : i32 to index
      %get3A_90 = tpu.vector_load %arg7[%get3A_89] {strides = array<i32>} : memref<8192xf32, #tpu.memory_space<vmem>>, vector<16xf32>,
      tpu.vector_store_idx %arg5[%get3A_88], %get3A_90 {add = true} : memref<100352xf32, #tpu.memory_space<vmem>>[vector<16xi32>], vector<16xf32>,
      %mul3A_91 = arith.constant 128 : i32
      %mul3A_92 = arith.muli %scan3A_80, %mul3A_91 : i32
      %add3A_93 = arith.constant 16 : i32
      %add3A_94 = arith.addi %mul3A_92, %add3A_93 : i32
      %add3A_95 = arith.constant 0 : i32
      %add3A_96 = arith.addi %add3A_95, %add3A_94 : i32
      %get3A_97 = arith.index_cast %add3A_96 : i32 to index
      %get3A_98 = tpu.vector_load %arg6[%get3A_97] {strides = array<i32>} : memref<16384xi32, #tpu.memory_space<vmem>>, vector<16xi32>,
      %get3A_99 = arith.index_cast %add3A_94 : i32 to index
      %get3A_100 = tpu.vector_load %arg7[%get3A_99] {strides = array<i32>} : memref<8192xf32, #tpu.memory_space<vmem>>, vector<16xf32>,
      tpu.vector_store_idx %arg5[%get3A_98], %get3A_100 {add = true} : memref<100352xf32, #tpu.memory_space<vmem>>[vector<16xi32>], vector<16xf32>,
      %mul3A_101 = arith.constant 128 : i32
      %mul3A_102 = arith.muli %scan3A_80, %mul3A_101 : i32
      %add3A_103 = arith.constant 32 : i32
      %add3A_104 = arith.addi %mul3A_102, %add3A_103 : i32
      %add3A_105 = arith.constant 0 : i32
      %add3A_106 = arith.addi %add3A_105, %add3A_104 : i32
      %get3A_107 = arith.index_cast %add3A_106 : i32 to index
      %get3A_108 = tpu.vector_load %arg6[%get3A_107] {strides = array<i32>} : memref<16384xi32, #tpu.memory_space<vmem>>, vector<16xi32>,
      %get3A_109 = arith.index_cast %add3A_104 : i32 to index
      %get3A_110 = tpu.vector_load %arg7[%get3A_109] {strides = array<i32>} : memref<8192xf32, #tpu.memory_space<vmem>>, vector<16xf32>,
      tpu.vector_store_idx %arg5[%get3A_108], %get3A_110 {add = true} : memref<100352xf32, #tpu.memory_space<vmem>>[vector<16xi32>], vector<16xf32>,
      %mul3A_111 = arith.constant 128 : i32
      %mul3A_112 = arith.muli %scan3A_80, %mul3A_111 : i32
      %add3A_113 = arith.constant 48 : i32
      %add3A_114 = arith.addi %mul3A_112, %add3A_113 : i32
      %add3A_115 = arith.constant 0 : i32
      %add3A_116 = arith.addi %add3A_115, %add3A_114 : i32
      %get3A_117 = arith.index_cast %add3A_116 : i32 to index
      %get3A_118 = tpu.vector_load %arg6[%get3A_117] {strides = array<i32>} : memref<16384xi32, #tpu.memory_space<vmem>>, vector<16xi32>,
      %get3A_119 = arith.index_cast %add3A_114 : i32 to index
      %get3A_120 = tpu.vector_load %arg7[%get3A_119] {strides = array<i32>} : memref<8192xf32, #tpu.memory_space<vmem>>, vector<16xf32>,
      tpu.vector_store_idx %arg5[%get3A_118], %get3A_120 {add = true} : memref<100352xf32, #tpu.memory_space<vmem>>[vector<16xi32>], vector<16xf32>,
      %mul3A_121 = arith.constant 128 : i32
      %mul3A_122 = arith.muli %scan3A_80, %mul3A_121 : i32
      %add3A_123 = arith.constant 64 : i32
      %add3A_124 = arith.addi %mul3A_122, %add3A_123 : i32
      %add3A_125 = arith.constant 0 : i32
      %add3A_126 = arith.addi %add3A_125, %add3A_124 : i32
      %get3A_127 = arith.index_cast %add3A_126 : i32 to index
      %get3A_128 = tpu.vector_load %arg6[%get3A_127] {strides = array<i32>} : memref<16384xi32, #tpu.memory_space<vmem>>, vector<16xi32>,
      %get3A_129 = arith.index_cast %add3A_124 : i32 to index
      %get3A_130 = tpu.vector_load %arg7[%get3A_129] {strides = array<i32>} : memref<8192xf32, #tpu.memory_space<vmem>>, vector<16xf32>,
      tpu.vector_store_idx %arg5[%get3A_128], %get3A_130 {add = true} : memref<100352xf32, #tpu.memory_space<vmem>>[vector<16xi32>], vector<16xf32>,
      %mul3A_131 = arith.constant 128 : i32
      %mul3A_132 = arith.muli %scan3A_80, %mul3A_131 : i32
      %add3A_133 = arith.constant 80 : i32
      %add3A_134 = arith.addi %mul3A_132, %add3A_133 : i32
      %add3A_135 = arith.constant 0 : i32
      %add3A_136 = arith.addi %add3A_135, %add3A_134 : i32
      %get3A_137 = arith.index_cast %add3A_136 : i32 to index
      %get3A_138 = tpu.vector_load %arg6[%get3A_137] {strides = array<i32>} : memref<16384xi32, #tpu.memory_space<vmem>>, vector<16xi32>,
      %get3A_139 = arith.index_cast %add3A_134 : i32 to index
      %get3A_140 = tpu.vector_load %arg7[%get3A_139] {strides = array<i32>} : memref<8192xf32, #tpu.memory_space<vmem>>, vector<16xf32>,
      tpu.vector_store_idx %arg5[%get3A_138], %get3A_140 {add = true} : memref<100352xf32, #tpu.memory_space<vmem>>[vector<16xi32>], vector<16xf32>,
      %mul3A_141 = arith.constant 128 : i32
      %mul3A_142 = arith.muli %scan3A_80, %mul3A_141 : i32
      %add3A_143 = arith.constant 96 : i32
      %add3A_144 = arith.addi %mul3A_142, %add3A_143 : i32
      %add3A_145 = arith.constant 0 : i32
      %add3A_146 = arith.addi %add3A_145, %add3A_144 : i32
      %get3A_147 = arith.index_cast %add3A_146 : i32 to index
      %get3A_148 = tpu.vector_load %arg6[%get3A_147] {strides = array<i32>} : memref<16384xi32, #tpu.memory_space<vmem>>, vector<16xi32>,
      %get3A_149 = arith.index_cast %add3A_144 : i32 to index
      %get3A_150 = tpu.vector_load %arg7[%get3A_149] {strides = array<i32>} : memref<8192xf32, #tpu.memory_space<vmem>>, vector<16xf32>,
      tpu.vector_store_idx %arg5[%get3A_148], %get3A_150 {add = true} : memref<100352xf32, #tpu.memory_space<vmem>>[vector<16xi32>], vector<16xf32>,
      %mul3A_151 = arith.constant 128 : i32
      %mul3A_152 = arith.muli %scan3A_80, %mul3A_151 : i32
      %add3A_153 = arith.constant 112 : i32
      %add3A_154 = arith.addi %mul3A_152, %add3A_153 : i32
      %add3A_155 = arith.constant 0 : i32
      %add3A_156 = arith.addi %add3A_155, %add3A_154 : i32
      %get3A_157 = arith.index_cast %add3A_156 : i32 to index
      %get3A_158 = tpu.vector_load %arg6[%get3A_157] {strides = array<i32>} : memref<16384xi32, #tpu.memory_space<vmem>>, vector<16xi32>,
      %get3A_159 = arith.index_cast %add3A_154 : i32 to index
      %get3A_160 = tpu.vector_load %arg7[%get3A_159] {strides = array<i32>} : memref<8192xf32, #tpu.memory_space<vmem>>, vector<16xf32>,
      tpu.vector_store_idx %arg5[%get3A_158], %get3A_160 {add = true} : memref<100352xf32, #tpu.memory_space<vmem>>[vector<16xi32>], vector<16xf32>,
      %scan3A_161 = arith.constant 0 : i32
      scf.yield %scan3A_161 : i32
    }
    %scan3A_54 = arith.constant 64 : i32
    "tpu.region"() ({
      %run_scoped3A = tpu.sem_alloc : memref<!tpu.dma_semaphore, #tpu.memory_space<semaphore_mem>>
      %dma_start3A = arith.constant 8192 : i32
      %dma_start3A_80 = tpu.memref_slice %arg3[%add3A_47, %dma_start3A] : memref<128x16384xf32, #tpu.memory_space<hbm>> -> memref<1x8192xf32, #tpu.memory_space<hbm>>
      %dma_start3A_81 = tpu.memref_squeeze %dma_start3A_80 : memref<1x8192xf32, #tpu.memory_space<hbm>> -> memref<8192xf32, #tpu.memory_space<hbm>>
      %dma_start3A_82 = arith.constant 8192 : i32
      %dma_start3A_83 = tpu.memref_slice %arg3[%add3A_47, %dma_start3A_82] : memref<128x16384xf32, #tpu.memory_space<hbm>> -> memref<1x8192xf32, #tpu.memory_space<hbm>>
      %dma_start3A_84 = tpu.memref_squeeze %dma_start3A_83 : memref<1x8192xf32, #tpu.memory_space<hbm>> -> memref<8192xf32, #tpu.memory_space<hbm>>
      tpu.enqueue_dma source(%dma_start3A_84 : memref<8192xf32, #tpu.memory_space<hbm>>) target(%arg7 : memref<8192xf32, #tpu.memory_space<vmem>>) target_semaphore(%run_scoped3A : memref<!tpu.dma_semaphore, #tpu.memory_space<semaphore_mem>>)
      %dma_wait3A = arith.constant 8192 : i32
      %dma_wait3A_85 = tpu.memref_slice %arg3[%add3A_47, %dma_wait3A] : memref<128x16384xf32, #tpu.memory_space<hbm>> -> memref<1x8192xf32, #tpu.memory_space<hbm>>
      %dma_wait3A_86 = tpu.memref_squeeze %dma_wait3A_85 : memref<1x8192xf32, #tpu.memory_space<hbm>> -> memref<8192xf32, #tpu.memory_space<hbm>>
      %dma_wait3A_87 = arith.constant 8192 : i32
      %dma_wait3A_88 = tpu.memref_slice %arg3[%add3A_47, %dma_wait3A_87] : memref<128x16384xf32, #tpu.memory_space<hbm>> -> memref<1x8192xf32, #tpu.memory_space<hbm>>
      %dma_wait3A_89 = tpu.memref_squeeze %dma_wait3A_88 : memref<1x8192xf32, #tpu.memory_space<hbm>> -> memref<8192xf32, #tpu.memory_space<hbm>>
      tpu.wait_dma2 semaphore(%run_scoped3A : memref<!tpu.dma_semaphore, #tpu.memory_space<semaphore_mem>>) src(%dma_wait3A_89 : memref<8192xf32, #tpu.memory_space<hbm>>) dst(%arg7 : memref<8192xf32, #tpu.memory_space<vmem>>)
      tpu.yield
    }) : () -> ()
    %scan3A_55 = arith.constant 0 : i32
    %scan3A_56 = arith.constant 0 : i32
    %scan3A_57 = arith.constant 64 : i32
    %scan3A_58 = arith.addi %scan3A_56, %scan3A_57 : i32
    %scan3A_59 = arith.constant 1 : i32
    %scan3A_60 = scf.for %scan3A_80 = %scan3A_56 to %scan3A_58 step %scan3A_59 iter_args(%scan3A_81 = %scan3A_55) -> (i32)  : i32 {
      %mul3A_82 = arith.constant 128 : i32
      %mul3A_83 = arith.muli %scan3A_80, %mul3A_82 : i32
      %add3A_84 = arith.constant 0 : i32
      %add3A_85 = arith.addi %mul3A_83, %add3A_84 : i32
      %add3A_86 = arith.constant 8192 : i32
      %add3A_87 = arith.addi %add3A_86, %add3A_85 : i32
      %get3A = arith.index_cast %add3A_87 : i32 to index
      %get3A_88 = tpu.vector_load %arg6[%get3A] {strides = array<i32>} : memref<16384xi32, #tpu.memory_space<vmem>>, vector<16xi32>,
      %get3A_89 = arith.index_cast %add3A_85 : i32 to index
      %get3A_90 = tpu.vector_load %arg7[%get3A_89] {strides = array<i32>} : memref<8192xf32, #tpu.memory_space<vmem>>, vector<16xf32>,
      tpu.vector_store_idx %arg5[%get3A_88], %get3A_90 {add = true} : memref<100352xf32, #tpu.memory_space<vmem>>[vector<16xi32>], vector<16xf32>,
      %mul3A_91 = arith.constant 128 : i32
      %mul3A_92 = arith.muli %scan3A_80, %mul3A_91 : i32
      %add3A_93 = arith.constant 16 : i32
      %add3A_94 = arith.addi %mul3A_92, %add3A_93 : i32
      %add3A_95 = arith.constant 8192 : i32
      %add3A_96 = arith.addi %add3A_95, %add3A_94 : i32
      %get3A_97 = arith.index_cast %add3A_96 : i32 to index
      %get3A_98 = tpu.vector_load %arg6[%get3A_97] {strides = array<i32>} : memref<16384xi32, #tpu.memory_space<vmem>>, vector<16xi32>,
      %get3A_99 = arith.index_cast %add3A_94 : i32 to index
      %get3A_100 = tpu.vector_load %arg7[%get3A_99] {strides = array<i32>} : memref<8192xf32, #tpu.memory_space<vmem>>, vector<16xf32>,
      tpu.vector_store_idx %arg5[%get3A_98], %get3A_100 {add = true} : memref<100352xf32, #tpu.memory_space<vmem>>[vector<16xi32>], vector<16xf32>,
      %mul3A_101 = arith.constant 128 : i32
      %mul3A_102 = arith.muli %scan3A_80, %mul3A_101 : i32
      %add3A_103 = arith.constant 32 : i32
      %add3A_104 = arith.addi %mul3A_102, %add3A_103 : i32
      %add3A_105 = arith.constant 8192 : i32
      %add3A_106 = arith.addi %add3A_105, %add3A_104 : i32
      %get3A_107 = arith.index_cast %add3A_106 : i32 to index
      %get3A_108 = tpu.vector_load %arg6[%get3A_107] {strides = array<i32>} : memref<16384xi32, #tpu.memory_space<vmem>>, vector<16xi32>,
      %get3A_109 = arith.index_cast %add3A_104 : i32 to index
      %get3A_110 = tpu.vector_load %arg7[%get3A_109] {strides = array<i32>} : memref<8192xf32, #tpu.memory_space<vmem>>, vector<16xf32>,
      tpu.vector_store_idx %arg5[%get3A_108], %get3A_110 {add = true} : memref<100352xf32, #tpu.memory_space<vmem>>[vector<16xi32>], vector<16xf32>,
      %mul3A_111 = arith.constant 128 : i32
      %mul3A_112 = arith.muli %scan3A_80, %mul3A_111 : i32
      %add3A_113 = arith.constant 48 : i32
      %add3A_114 = arith.addi %mul3A_112, %add3A_113 : i32
      %add3A_115 = arith.constant 8192 : i32
      %add3A_116 = arith.addi %add3A_115, %add3A_114 : i32
      %get3A_117 = arith.index_cast %add3A_116 : i32 to index
      %get3A_118 = tpu.vector_load %arg6[%get3A_117] {strides = array<i32>} : memref<16384xi32, #tpu.memory_space<vmem>>, vector<16xi32>,
      %get3A_119 = arith.index_cast %add3A_114 : i32 to index
      %get3A_120 = tpu.vector_load %arg7[%get3A_119] {strides = array<i32>} : memref<8192xf32, #tpu.memory_space<vmem>>, vector<16xf32>,
      tpu.vector_store_idx %arg5[%get3A_118], %get3A_120 {add = true} : memref<100352xf32, #tpu.memory_space<vmem>>[vector<16xi32>], vector<16xf32>,
      %mul3A_121 = arith.constant 128 : i32
      %mul3A_122 = arith.muli %scan3A_80, %mul3A_121 : i32
      %add3A_123 = arith.constant 64 : i32
      %add3A_124 = arith.addi %mul3A_122, %add3A_123 : i32
      %add3A_125 = arith.constant 8192 : i32
      %add3A_126 = arith.addi %add3A_125, %add3A_124 : i32
      %get3A_127 = arith.index_cast %add3A_126 : i32 to index
      %get3A_128 = tpu.vector_load %arg6[%get3A_127] {strides = array<i32>} : memref<16384xi32, #tpu.memory_space<vmem>>, vector<16xi32>,
      %get3A_129 = arith.index_cast %add3A_124 : i32 to index
      %get3A_130 = tpu.vector_load %arg7[%get3A_129] {strides = array<i32>} : memref<8192xf32, #tpu.memory_space<vmem>>, vector<16xf32>,
      tpu.vector_store_idx %arg5[%get3A_128], %get3A_130 {add = true} : memref<100352xf32, #tpu.memory_space<vmem>>[vector<16xi32>], vector<16xf32>,
      %mul3A_131 = arith.constant 128 : i32
      %mul3A_132 = arith.muli %scan3A_80, %mul3A_131 : i32
      %add3A_133 = arith.constant 80 : i32
      %add3A_134 = arith.addi %mul3A_132, %add3A_133 : i32
      %add3A_135 = arith.constant 8192 : i32
      %add3A_136 = arith.addi %add3A_135, %add3A_134 : i32
      %get3A_137 = arith.index_cast %add3A_136 : i32 to index
      %get3A_138 = tpu.vector_load %arg6[%get3A_137] {strides = array<i32>} : memref<16384xi32, #tpu.memory_space<vmem>>, vector<16xi32>,
      %get3A_139 = arith.index_cast %add3A_134 : i32 to index
      %get3A_140 = tpu.vector_load %arg7[%get3A_139] {strides = array<i32>} : memref<8192xf32, #tpu.memory_space<vmem>>, vector<16xf32>,
      tpu.vector_store_idx %arg5[%get3A_138], %get3A_140 {add = true} : memref<100352xf32, #tpu.memory_space<vmem>>[vector<16xi32>], vector<16xf32>,
      %mul3A_141 = arith.constant 128 : i32
      %mul3A_142 = arith.muli %scan3A_80, %mul3A_141 : i32
      %add3A_143 = arith.constant 96 : i32
      %add3A_144 = arith.addi %mul3A_142, %add3A_143 : i32
      %add3A_145 = arith.constant 8192 : i32
      %add3A_146 = arith.addi %add3A_145, %add3A_144 : i32
      %get3A_147 = arith.index_cast %add3A_146 : i32 to index
      %get3A_148 = tpu.vector_load %arg6[%get3A_147] {strides = array<i32>} : memref<16384xi32, #tpu.memory_space<vmem>>, vector<16xi32>,
      %get3A_149 = arith.index_cast %add3A_144 : i32 to index
      %get3A_150 = tpu.vector_load %arg7[%get3A_149] {strides = array<i32>} : memref<8192xf32, #tpu.memory_space<vmem>>, vector<16xf32>,
      tpu.vector_store_idx %arg5[%get3A_148], %get3A_150 {add = true} : memref<100352xf32, #tpu.memory_space<vmem>>[vector<16xi32>], vector<16xf32>,
      %mul3A_151 = arith.constant 128 : i32
      %mul3A_152 = arith.muli %scan3A_80, %mul3A_151 : i32
      %add3A_153 = arith.constant 112 : i32
      %add3A_154 = arith.addi %mul3A_152, %add3A_153 : i32
      %add3A_155 = arith.constant 8192 : i32
      %add3A_156 = arith.addi %add3A_155, %add3A_154 : i32
      %get3A_157 = arith.index_cast %add3A_156 : i32 to index
      %get3A_158 = tpu.vector_load %arg6[%get3A_157] {strides = array<i32>} : memref<16384xi32, #tpu.memory_space<vmem>>, vector<16xi32>,
      %get3A_159 = arith.index_cast %add3A_154 : i32 to index
      %get3A_160 = tpu.vector_load %arg7[%get3A_159] {strides = array<i32>} : memref<8192xf32, #tpu.memory_space<vmem>>, vector<16xf32>,
      tpu.vector_store_idx %arg5[%get3A_158], %get3A_160 {add = true} : memref<100352xf32, #tpu.memory_space<vmem>>[vector<16xi32>], vector<16xf32>,
      %scan3A_161 = arith.constant 0 : i32
      scf.yield %scan3A_161 : i32
    }
    %scan3A_61 = arith.constant 64 : i32
    "tpu.region"() ({
      %run_scoped3A = tpu.sem_alloc : memref<!tpu.dma_semaphore, #tpu.memory_space<semaphore_mem>>
      %dma_start3A = arith.constant 0 : i32
      %dma_start3A_80 = tpu.memref_slice %arg4[%add3A_47, %dma_start3A] : memref<128x100352xf32, #tpu.memory_space<hbm>> -> memref<1x100352xf32, #tpu.memory_space<hbm>>
      %dma_start3A_81 = tpu.memref_squeeze %dma_start3A_80 : memref<1x100352xf32, #tpu.memory_space<hbm>> -> memref<100352xf32, #tpu.memory_space<hbm>>
      %dma_start3A_82 = arith.constant 0 : i32
      %dma_start3A_83 = tpu.memref_slice %arg4[%add3A_47, %dma_start3A_82] : memref<128x100352xf32, #tpu.memory_space<hbm>> -> memref<1x100352xf32, #tpu.memory_space<hbm>>
      %dma_start3A_84 = tpu.memref_squeeze %dma_start3A_83 : memref<1x100352xf32, #tpu.memory_space<hbm>> -> memref<100352xf32, #tpu.memory_space<hbm>>
      tpu.enqueue_dma source(%arg5 : memref<100352xf32, #tpu.memory_space<vmem>>) target(%dma_start3A_84 : memref<100352xf32, #tpu.memory_space<hbm>>) target_semaphore(%run_scoped3A : memref<!tpu.dma_semaphore, #tpu.memory_space<semaphore_mem>>)
      %dma_wait3A = arith.constant 0 : i32
      %dma_wait3A_85 = tpu.memref_slice %arg4[%add3A_47, %dma_wait3A] : memref<128x100352xf32, #tpu.memory_space<hbm>> -> memref<1x100352xf32, #tpu.memory_space<hbm>>
      %dma_wait3A_86 = tpu.memref_squeeze %dma_wait3A_85 : memref<1x100352xf32, #tpu.memory_space<hbm>> -> memref<100352xf32, #tpu.memory_space<hbm>>
      %dma_wait3A_87 = arith.constant 0 : i32
      %dma_wait3A_88 = tpu.memref_slice %arg4[%add3A_47, %dma_wait3A_87] : memref<128x100352xf32, #tpu.memory_space<hbm>> -> memref<1x100352xf32, #tpu.memory_space<hbm>>
      %dma_wait3A_89 = tpu.memref_squeeze %dma_wait3A_88 : memref<1x100352xf32, #tpu.memory_space<hbm>> -> memref<100352xf32, #tpu.memory_space<hbm>>
      tpu.wait_dma2 semaphore(%run_scoped3A : memref<!tpu.dma_semaphore, #tpu.memory_space<semaphore_mem>>) src(%arg5 : memref<100352xf32, #tpu.memory_space<vmem>>) dst(%dma_wait3A_89 : memref<100352xf32, #tpu.memory_space<hbm>>)
      tpu.yield
    }) : () -> ()
    %mul3A_62 = arith.constant 4 : i32
    %mul3A_63 = arith.muli %add3A, %mul3A_62 : i32
    %add3A_64 = arith.constant 3 : i32
    %add3A_65 = arith.addi %mul3A_63, %add3A_64 : i32
    "tpu.region"() ({
      %run_scoped3A = tpu.sem_alloc : memref<!tpu.dma_semaphore, #tpu.memory_space<semaphore_mem>>
      %dma_start3A = arith.constant 0 : i32
      %dma_start3A_80 = tpu.memref_slice %arg2[%add3A_65, %dma_start3A] : memref<128x16384xi32, #tpu.memory_space<hbm>> -> memref<1x16384xi32, #tpu.memory_space<hbm>>
      %dma_start3A_81 = tpu.memref_squeeze %dma_start3A_80 : memref<1x16384xi32, #tpu.memory_space<hbm>> -> memref<16384xi32, #tpu.memory_space<hbm>>
      %dma_start3A_82 = arith.constant 0 : i32
      %dma_start3A_83 = tpu.memref_slice %arg2[%add3A_65, %dma_start3A_82] : memref<128x16384xi32, #tpu.memory_space<hbm>> -> memref<1x16384xi32, #tpu.memory_space<hbm>>
      %dma_start3A_84 = tpu.memref_squeeze %dma_start3A_83 : memref<1x16384xi32, #tpu.memory_space<hbm>> -> memref<16384xi32, #tpu.memory_space<hbm>>
      tpu.enqueue_dma source(%dma_start3A_84 : memref<16384xi32, #tpu.memory_space<hbm>>) target(%arg6 : memref<16384xi32, #tpu.memory_space<vmem>>) target_semaphore(%run_scoped3A : memref<!tpu.dma_semaphore, #tpu.memory_space<semaphore_mem>>)
      %dma_wait3A = arith.constant 0 : i32
      %dma_wait3A_85 = tpu.memref_slice %arg2[%add3A_65, %dma_wait3A] : memref<128x16384xi32, #tpu.memory_space<hbm>> -> memref<1x16384xi32, #tpu.memory_space<hbm>>
      %dma_wait3A_86 = tpu.memref_squeeze %dma_wait3A_85 : memref<1x16384xi32, #tpu.memory_space<hbm>> -> memref<16384xi32, #tpu.memory_space<hbm>>
      %dma_wait3A_87 = arith.constant 0 : i32
      %dma_wait3A_88 = tpu.memref_slice %arg2[%add3A_65, %dma_wait3A_87] : memref<128x16384xi32, #tpu.memory_space<hbm>> -> memref<1x16384xi32, #tpu.memory_space<hbm>>
      %dma_wait3A_89 = tpu.memref_squeeze %dma_wait3A_88 : memref<1x16384xi32, #tpu.memory_space<hbm>> -> memref<16384xi32, #tpu.memory_space<hbm>>
      tpu.wait_dma2 semaphore(%run_scoped3A : memref<!tpu.dma_semaphore, #tpu.memory_space<semaphore_mem>>) src(%dma_wait3A_89 : memref<16384xi32, #tpu.memory_space<hbm>>) dst(%arg6 : memref<16384xi32, #tpu.memory_space<vmem>>)
      tpu.yield
    }) : () -> ()
    "tpu.region"() ({
      %run_scoped3A = tpu.sem_alloc : memref<!tpu.dma_semaphore, #tpu.memory_space<semaphore_mem>>
      %dma_start3A = arith.constant 0 : i32
      %dma_start3A_80 = tpu.memref_slice %arg3[%add3A_65, %dma_start3A] : memref<128x16384xf32, #tpu.memory_space<hbm>> -> memref<1x8192xf32, #tpu.memory_space<hbm>>
      %dma_start3A_81 = tpu.memref_squeeze %dma_start3A_80 : memref<1x8192xf32, #tpu.memory_space<hbm>> -> memref<8192xf32, #tpu.memory_space<hbm>>
      %dma_start3A_82 = arith.constant 0 : i32
      %dma_start3A_83 = tpu.memref_slice %arg3[%add3A_65, %dma_start3A_82] : memref<128x16384xf32, #tpu.memory_space<hbm>> -> memref<1x8192xf32, #tpu.memory_space<hbm>>
      %dma_start3A_84 = tpu.memref_squeeze %dma_start3A_83 : memref<1x8192xf32, #tpu.memory_space<hbm>> -> memref<8192xf32, #tpu.memory_space<hbm>>
      tpu.enqueue_dma source(%dma_start3A_84 : memref<8192xf32, #tpu.memory_space<hbm>>) target(%arg7 : memref<8192xf32, #tpu.memory_space<vmem>>) target_semaphore(%run_scoped3A : memref<!tpu.dma_semaphore, #tpu.memory_space<semaphore_mem>>)
      %dma_wait3A = arith.constant 0 : i32
      %dma_wait3A_85 = tpu.memref_slice %arg3[%add3A_65, %dma_wait3A] : memref<128x16384xf32, #tpu.memory_space<hbm>> -> memref<1x8192xf32, #tpu.memory_space<hbm>>
      %dma_wait3A_86 = tpu.memref_squeeze %dma_wait3A_85 : memref<1x8192xf32, #tpu.memory_space<hbm>> -> memref<8192xf32, #tpu.memory_space<hbm>>
      %dma_wait3A_87 = arith.constant 0 : i32
      %dma_wait3A_88 = tpu.memref_slice %arg3[%add3A_65, %dma_wait3A_87] : memref<128x16384xf32, #tpu.memory_space<hbm>> -> memref<1x8192xf32, #tpu.memory_space<hbm>>
      %dma_wait3A_89 = tpu.memref_squeeze %dma_wait3A_88 : memref<1x8192xf32, #tpu.memory_space<hbm>> -> memref<8192xf32, #tpu.memory_space<hbm>>
      tpu.wait_dma2 semaphore(%run_scoped3A : memref<!tpu.dma_semaphore, #tpu.memory_space<semaphore_mem>>) src(%dma_wait3A_89 : memref<8192xf32, #tpu.memory_space<hbm>>) dst(%arg7 : memref<8192xf32, #tpu.memory_space<vmem>>)
      tpu.yield
    }) : () -> ()
    %scan3A_66 = arith.constant 0 : i32
    %scan3A_67 = arith.constant 0 : i32
    %scan3A_68 = arith.constant 64 : i32
    %scan3A_69 = arith.addi %scan3A_67, %scan3A_68 : i32
    %scan3A_70 = arith.constant 1 : i32
    %scan3A_71 = scf.for %scan3A_80 = %scan3A_67 to %scan3A_69 step %scan3A_70 iter_args(%scan3A_81 = %scan3A_66) -> (i32)  : i32 {
      %mul3A_82 = arith.constant 128 : i32
      %mul3A_83 = arith.muli %scan3A_80, %mul3A_82 : i32
      %add3A_84 = arith.constant 0 : i32
      %add3A_85 = arith.addi %mul3A_83, %add3A_84 : i32
      %add3A_86 = arith.constant 0 : i32
      %add3A_87 = arith.addi %add3A_86, %add3A_85 : i32
      %get3A = arith.index_cast %add3A_87 : i32 to index
      %get3A_88 = tpu.vector_load %arg6[%get3A] {strides = array<i32>} : memref<16384xi32, #tpu.memory_space<vmem>>, vector<16xi32>,
      %get3A_89 = arith.index_cast %add3A_85 : i32 to index
      %get3A_90 = tpu.vector_load %arg7[%get3A_89] {strides = array<i32>} : memref<8192xf32, #tpu.memory_space<vmem>>, vector<16xf32>,
      tpu.vector_store_idx %arg5[%get3A_88], %get3A_90 {add = true} : memref<100352xf32, #tpu.memory_space<vmem>>[vector<16xi32>], vector<16xf32>,
      %mul3A_91 = arith.constant 128 : i32
      %mul3A_92 = arith.muli %scan3A_80, %mul3A_91 : i32
      %add3A_93 = arith.constant 16 : i32
      %add3A_94 = arith.addi %mul3A_92, %add3A_93 : i32
      %add3A_95 = arith.constant 0 : i32
      %add3A_96 = arith.addi %add3A_95, %add3A_94 : i32
      %get3A_97 = arith.index_cast %add3A_96 : i32 to index
      %get3A_98 = tpu.vector_load %arg6[%get3A_97] {strides = array<i32>} : memref<16384xi32, #tpu.memory_space<vmem>>, vector<16xi32>,
      %get3A_99 = arith.index_cast %add3A_94 : i32 to index
      %get3A_100 = tpu.vector_load %arg7[%get3A_99] {strides = array<i32>} : memref<8192xf32, #tpu.memory_space<vmem>>, vector<16xf32>,
      tpu.vector_store_idx %arg5[%get3A_98], %get3A_100 {add = true} : memref<100352xf32, #tpu.memory_space<vmem>>[vector<16xi32>], vector<16xf32>,
      %mul3A_101 = arith.constant 128 : i32
      %mul3A_102 = arith.muli %scan3A_80, %mul3A_101 : i32
      %add3A_103 = arith.constant 32 : i32
      %add3A_104 = arith.addi %mul3A_102, %add3A_103 : i32
      %add3A_105 = arith.constant 0 : i32
      %add3A_106 = arith.addi %add3A_105, %add3A_104 : i32
      %get3A_107 = arith.index_cast %add3A_106 : i32 to index
      %get3A_108 = tpu.vector_load %arg6[%get3A_107] {strides = array<i32>} : memref<16384xi32, #tpu.memory_space<vmem>>, vector<16xi32>,
      %get3A_109 = arith.index_cast %add3A_104 : i32 to index
      %get3A_110 = tpu.vector_load %arg7[%get3A_109] {strides = array<i32>} : memref<8192xf32, #tpu.memory_space<vmem>>, vector<16xf32>,
      tpu.vector_store_idx %arg5[%get3A_108], %get3A_110 {add = true} : memref<100352xf32, #tpu.memory_space<vmem>>[vector<16xi32>], vector<16xf32>,
      %mul3A_111 = arith.constant 128 : i32
      %mul3A_112 = arith.muli %scan3A_80, %mul3A_111 : i32
      %add3A_113 = arith.constant 48 : i32
      %add3A_114 = arith.addi %mul3A_112, %add3A_113 : i32
      %add3A_115 = arith.constant 0 : i32
      %add3A_116 = arith.addi %add3A_115, %add3A_114 : i32
      %get3A_117 = arith.index_cast %add3A_116 : i32 to index
      %get3A_118 = tpu.vector_load %arg6[%get3A_117] {strides = array<i32>} : memref<16384xi32, #tpu.memory_space<vmem>>, vector<16xi32>,
      %get3A_119 = arith.index_cast %add3A_114 : i32 to index
      %get3A_120 = tpu.vector_load %arg7[%get3A_119] {strides = array<i32>} : memref<8192xf32, #tpu.memory_space<vmem>>, vector<16xf32>,
      tpu.vector_store_idx %arg5[%get3A_118], %get3A_120 {add = true} : memref<100352xf32, #tpu.memory_space<vmem>>[vector<16xi32>], vector<16xf32>,
      %mul3A_121 = arith.constant 128 : i32
      %mul3A_122 = arith.muli %scan3A_80, %mul3A_121 : i32
      %add3A_123 = arith.constant 64 : i32
      %add3A_124 = arith.addi %mul3A_122, %add3A_123 : i32
      %add3A_125 = arith.constant 0 : i32
      %add3A_126 = arith.addi %add3A_125, %add3A_124 : i32
      %get3A_127 = arith.index_cast %add3A_126 : i32 to index
      %get3A_128 = tpu.vector_load %arg6[%get3A_127] {strides = array<i32>} : memref<16384xi32, #tpu.memory_space<vmem>>, vector<16xi32>,
      %get3A_129 = arith.index_cast %add3A_124 : i32 to index
      %get3A_130 = tpu.vector_load %arg7[%get3A_129] {strides = array<i32>} : memref<8192xf32, #tpu.memory_space<vmem>>, vector<16xf32>,
      tpu.vector_store_idx %arg5[%get3A_128], %get3A_130 {add = true} : memref<100352xf32, #tpu.memory_space<vmem>>[vector<16xi32>], vector<16xf32>,
      %mul3A_131 = arith.constant 128 : i32
      %mul3A_132 = arith.muli %scan3A_80, %mul3A_131 : i32
      %add3A_133 = arith.constant 80 : i32
      %add3A_134 = arith.addi %mul3A_132, %add3A_133 : i32
      %add3A_135 = arith.constant 0 : i32
      %add3A_136 = arith.addi %add3A_135, %add3A_134 : i32
      %get3A_137 = arith.index_cast %add3A_136 : i32 to index
      %get3A_138 = tpu.vector_load %arg6[%get3A_137] {strides = array<i32>} : memref<16384xi32, #tpu.memory_space<vmem>>, vector<16xi32>,
      %get3A_139 = arith.index_cast %add3A_134 : i32 to index
      %get3A_140 = tpu.vector_load %arg7[%get3A_139] {strides = array<i32>} : memref<8192xf32, #tpu.memory_space<vmem>>, vector<16xf32>,
      tpu.vector_store_idx %arg5[%get3A_138], %get3A_140 {add = true} : memref<100352xf32, #tpu.memory_space<vmem>>[vector<16xi32>], vector<16xf32>,
      %mul3A_141 = arith.constant 128 : i32
      %mul3A_142 = arith.muli %scan3A_80, %mul3A_141 : i32
      %add3A_143 = arith.constant 96 : i32
      %add3A_144 = arith.addi %mul3A_142, %add3A_143 : i32
      %add3A_145 = arith.constant 0 : i32
      %add3A_146 = arith.addi %add3A_145, %add3A_144 : i32
      %get3A_147 = arith.index_cast %add3A_146 : i32 to index
      %get3A_148 = tpu.vector_load %arg6[%get3A_147] {strides = array<i32>} : memref<16384xi32, #tpu.memory_space<vmem>>, vector<16xi32>,
      %get3A_149 = arith.index_cast %add3A_144 : i32 to index
      %get3A_150 = tpu.vector_load %arg7[%get3A_149] {strides = array<i32>} : memref<8192xf32, #tpu.memory_space<vmem>>, vector<16xf32>,
      tpu.vector_store_idx %arg5[%get3A_148], %get3A_150 {add = true} : memref<100352xf32, #tpu.memory_space<vmem>>[vector<16xi32>], vector<16xf32>,
      %mul3A_151 = arith.constant 128 : i32
      %mul3A_152 = arith.muli %scan3A_80, %mul3A_151 : i32
      %add3A_153 = arith.constant 112 : i32
      %add3A_154 = arith.addi %mul3A_152, %add3A_153 : i32
      %add3A_155 = arith.constant 0 : i32
      %add3A_156 = arith.addi %add3A_155, %add3A_154 : i32
      %get3A_157 = arith.index_cast %add3A_156 : i32 to index
      %get3A_158 = tpu.vector_load %arg6[%get3A_157] {strides = array<i32>} : memref<16384xi32, #tpu.memory_space<vmem>>, vector<16xi32>,
      %get3A_159 = arith.index_cast %add3A_154 : i32 to index
      %get3A_160 = tpu.vector_load %arg7[%get3A_159] {strides = array<i32>} : memref<8192xf32, #tpu.memory_space<vmem>>, vector<16xf32>,
      tpu.vector_store_idx %arg5[%get3A_158], %get3A_160 {add = true} : memref<100352xf32, #tpu.memory_space<vmem>>[vector<16xi32>], vector<16xf32>,
      %scan3A_161 = arith.constant 0 : i32
      scf.yield %scan3A_161 : i32
    }
    %scan3A_72 = arith.constant 64 : i32
    "tpu.region"() ({
      %run_scoped3A = tpu.sem_alloc : memref<!tpu.dma_semaphore, #tpu.memory_space<semaphore_mem>>
      %dma_start3A = arith.constant 8192 : i32
      %dma_start3A_80 = tpu.memref_slice %arg3[%add3A_65, %dma_start3A] : memref<128x16384xf32, #tpu.memory_space<hbm>> -> memref<1x8192xf32, #tpu.memory_space<hbm>>
      %dma_start3A_81 = tpu.memref_squeeze %dma_start3A_80 : memref<1x8192xf32, #tpu.memory_space<hbm>> -> memref<8192xf32, #tpu.memory_space<hbm>>
      %dma_start3A_82 = arith.constant 8192 : i32
      %dma_start3A_83 = tpu.memref_slice %arg3[%add3A_65, %dma_start3A_82] : memref<128x16384xf32, #tpu.memory_space<hbm>> -> memref<1x8192xf32, #tpu.memory_space<hbm>>
      %dma_start3A_84 = tpu.memref_squeeze %dma_start3A_83 : memref<1x8192xf32, #tpu.memory_space<hbm>> -> memref<8192xf32, #tpu.memory_space<hbm>>
      tpu.enqueue_dma source(%dma_start3A_84 : memref<8192xf32, #tpu.memory_space<hbm>>) target(%arg7 : memref<8192xf32, #tpu.memory_space<vmem>>) target_semaphore(%run_scoped3A : memref<!tpu.dma_semaphore, #tpu.memory_space<semaphore_mem>>)
      %dma_wait3A = arith.constant 8192 : i32
      %dma_wait3A_85 = tpu.memref_slice %arg3[%add3A_65, %dma_wait3A] : memref<128x16384xf32, #tpu.memory_space<hbm>> -> memref<1x8192xf32, #tpu.memory_space<hbm>>
      %dma_wait3A_86 = tpu.memref_squeeze %dma_wait3A_85 : memref<1x8192xf32, #tpu.memory_space<hbm>> -> memref<8192xf32, #tpu.memory_space<hbm>>
      %dma_wait3A_87 = arith.constant 8192 : i32
      %dma_wait3A_88 = tpu.memref_slice %arg3[%add3A_65, %dma_wait3A_87] : memref<128x16384xf32, #tpu.memory_space<hbm>> -> memref<1x8192xf32, #tpu.memory_space<hbm>>
      %dma_wait3A_89 = tpu.memref_squeeze %dma_wait3A_88 : memref<1x8192xf32, #tpu.memory_space<hbm>> -> memref<8192xf32, #tpu.memory_space<hbm>>
      tpu.wait_dma2 semaphore(%run_scoped3A : memref<!tpu.dma_semaphore, #tpu.memory_space<semaphore_mem>>) src(%dma_wait3A_89 : memref<8192xf32, #tpu.memory_space<hbm>>) dst(%arg7 : memref<8192xf32, #tpu.memory_space<vmem>>)
      tpu.yield
    }) : () -> ()
    %scan3A_73 = arith.constant 0 : i32
    %scan3A_74 = arith.constant 0 : i32
    %scan3A_75 = arith.constant 64 : i32
    %scan3A_76 = arith.addi %scan3A_74, %scan3A_75 : i32
    %scan3A_77 = arith.constant 1 : i32
    %scan3A_78 = scf.for %scan3A_80 = %scan3A_74 to %scan3A_76 step %scan3A_77 iter_args(%scan3A_81 = %scan3A_73) -> (i32)  : i32 {
      %mul3A_82 = arith.constant 128 : i32
      %mul3A_83 = arith.muli %scan3A_80, %mul3A_82 : i32
      %add3A_84 = arith.constant 0 : i32
      %add3A_85 = arith.addi %mul3A_83, %add3A_84 : i32
      %add3A_86 = arith.constant 8192 : i32
      %add3A_87 = arith.addi %add3A_86, %add3A_85 : i32
      %get3A = arith.index_cast %add3A_87 : i32 to index
      %get3A_88 = tpu.vector_load %arg6[%get3A] {strides = array<i32>} : memref<16384xi32, #tpu.memory_space<vmem>>, vector<16xi32>,
      %get3A_89 = arith.index_cast %add3A_85 : i32 to index
      %get3A_90 = tpu.vector_load %arg7[%get3A_89] {strides = array<i32>} : memref<8192xf32, #tpu.memory_space<vmem>>, vector<16xf32>,
      tpu.vector_store_idx %arg5[%get3A_88], %get3A_90 {add = true} : memref<100352xf32, #tpu.memory_space<vmem>>[vector<16xi32>], vector<16xf32>,
      %mul3A_91 = arith.constant 128 : i32
      %mul3A_92 = arith.muli %scan3A_80, %mul3A_91 : i32
      %add3A_93 = arith.constant 16 : i32
      %add3A_94 = arith.addi %mul3A_92, %add3A_93 : i32
      %add3A_95 = arith.constant 8192 : i32
      %add3A_96 = arith.addi %add3A_95, %add3A_94 : i32
      %get3A_97 = arith.index_cast %add3A_96 : i32 to index
      %get3A_98 = tpu.vector_load %arg6[%get3A_97] {strides = array<i32>} : memref<16384xi32, #tpu.memory_space<vmem>>, vector<16xi32>,
      %get3A_99 = arith.index_cast %add3A_94 : i32 to index
      %get3A_100 = tpu.vector_load %arg7[%get3A_99] {strides = array<i32>} : memref<8192xf32, #tpu.memory_space<vmem>>, vector<16xf32>,
      tpu.vector_store_idx %arg5[%get3A_98], %get3A_100 {add = true} : memref<100352xf32, #tpu.memory_space<vmem>>[vector<16xi32>], vector<16xf32>,
      %mul3A_101 = arith.constant 128 : i32
      %mul3A_102 = arith.muli %scan3A_80, %mul3A_101 : i32
      %add3A_103 = arith.constant 32 : i32
      %add3A_104 = arith.addi %mul3A_102, %add3A_103 : i32
      %add3A_105 = arith.constant 8192 : i32
      %add3A_106 = arith.addi %add3A_105, %add3A_104 : i32
      %get3A_107 = arith.index_cast %add3A_106 : i32 to index
      %get3A_108 = tpu.vector_load %arg6[%get3A_107] {strides = array<i32>} : memref<16384xi32, #tpu.memory_space<vmem>>, vector<16xi32>,
      %get3A_109 = arith.index_cast %add3A_104 : i32 to index
      %get3A_110 = tpu.vector_load %arg7[%get3A_109] {strides = array<i32>} : memref<8192xf32, #tpu.memory_space<vmem>>, vector<16xf32>,
      tpu.vector_store_idx %arg5[%get3A_108], %get3A_110 {add = true} : memref<100352xf32, #tpu.memory_space<vmem>>[vector<16xi32>], vector<16xf32>,
      %mul3A_111 = arith.constant 128 : i32
      %mul3A_112 = arith.muli %scan3A_80, %mul3A_111 : i32
      %add3A_113 = arith.constant 48 : i32
      %add3A_114 = arith.addi %mul3A_112, %add3A_113 : i32
      %add3A_115 = arith.constant 8192 : i32
      %add3A_116 = arith.addi %add3A_115, %add3A_114 : i32
      %get3A_117 = arith.index_cast %add3A_116 : i32 to index
      %get3A_118 = tpu.vector_load %arg6[%get3A_117] {strides = array<i32>} : memref<16384xi32, #tpu.memory_space<vmem>>, vector<16xi32>,
      %get3A_119 = arith.index_cast %add3A_114 : i32 to index
      %get3A_120 = tpu.vector_load %arg7[%get3A_119] {strides = array<i32>} : memref<8192xf32, #tpu.memory_space<vmem>>, vector<16xf32>,
      tpu.vector_store_idx %arg5[%get3A_118], %get3A_120 {add = true} : memref<100352xf32, #tpu.memory_space<vmem>>[vector<16xi32>], vector<16xf32>,
      %mul3A_121 = arith.constant 128 : i32
      %mul3A_122 = arith.muli %scan3A_80, %mul3A_121 : i32
      %add3A_123 = arith.constant 64 : i32
      %add3A_124 = arith.addi %mul3A_122, %add3A_123 : i32
      %add3A_125 = arith.constant 8192 : i32
      %add3A_126 = arith.addi %add3A_125, %add3A_124 : i32
      %get3A_127 = arith.index_cast %add3A_126 : i32 to index
      %get3A_128 = tpu.vector_load %arg6[%get3A_127] {strides = array<i32>} : memref<16384xi32, #tpu.memory_space<vmem>>, vector<16xi32>,
      %get3A_129 = arith.index_cast %add3A_124 : i32 to index
      %get3A_130 = tpu.vector_load %arg7[%get3A_129] {strides = array<i32>} : memref<8192xf32, #tpu.memory_space<vmem>>, vector<16xf32>,
      tpu.vector_store_idx %arg5[%get3A_128], %get3A_130 {add = true} : memref<100352xf32, #tpu.memory_space<vmem>>[vector<16xi32>], vector<16xf32>,
      %mul3A_131 = arith.constant 128 : i32
      %mul3A_132 = arith.muli %scan3A_80, %mul3A_131 : i32
      %add3A_133 = arith.constant 80 : i32
      %add3A_134 = arith.addi %mul3A_132, %add3A_133 : i32
      %add3A_135 = arith.constant 8192 : i32
      %add3A_136 = arith.addi %add3A_135, %add3A_134 : i32
      %get3A_137 = arith.index_cast %add3A_136 : i32 to index
      %get3A_138 = tpu.vector_load %arg6[%get3A_137] {strides = array<i32>} : memref<16384xi32, #tpu.memory_space<vmem>>, vector<16xi32>,
      %get3A_139 = arith.index_cast %add3A_134 : i32 to index
      %get3A_140 = tpu.vector_load %arg7[%get3A_139] {strides = array<i32>} : memref<8192xf32, #tpu.memory_space<vmem>>, vector<16xf32>,
      tpu.vector_store_idx %arg5[%get3A_138], %get3A_140 {add = true} : memref<100352xf32, #tpu.memory_space<vmem>>[vector<16xi32>], vector<16xf32>,
      %mul3A_141 = arith.constant 128 : i32
      %mul3A_142 = arith.muli %scan3A_80, %mul3A_141 : i32
      %add3A_143 = arith.constant 96 : i32
      %add3A_144 = arith.addi %mul3A_142, %add3A_143 : i32
      %add3A_145 = arith.constant 8192 : i32
      %add3A_146 = arith.addi %add3A_145, %add3A_144 : i32
      %get3A_147 = arith.index_cast %add3A_146 : i32 to index
      %get3A_148 = tpu.vector_load %arg6[%get3A_147] {strides = array<i32>} : memref<16384xi32, #tpu.memory_space<vmem>>, vector<16xi32>,
      %get3A_149 = arith.index_cast %add3A_144 : i32 to index
      %get3A_150 = tpu.vector_load %arg7[%get3A_149] {strides = array<i32>} : memref<8192xf32, #tpu.memory_space<vmem>>, vector<16xf32>,
      tpu.vector_store_idx %arg5[%get3A_148], %get3A_150 {add = true} : memref<100352xf32, #tpu.memory_space<vmem>>[vector<16xi32>], vector<16xf32>,
      %mul3A_151 = arith.constant 128 : i32
      %mul3A_152 = arith.muli %scan3A_80, %mul3A_151 : i32
      %add3A_153 = arith.constant 112 : i32
      %add3A_154 = arith.addi %mul3A_152, %add3A_153 : i32
      %add3A_155 = arith.constant 8192 : i32
      %add3A_156 = arith.addi %add3A_155, %add3A_154 : i32
      %get3A_157 = arith.index_cast %add3A_156 : i32 to index
      %get3A_158 = tpu.vector_load %arg6[%get3A_157] {strides = array<i32>} : memref<16384xi32, #tpu.memory_space<vmem>>, vector<16xi32>,
      %get3A_159 = arith.index_cast %add3A_154 : i32 to index
      %get3A_160 = tpu.vector_load %arg7[%get3A_159] {strides = array<i32>} : memref<8192xf32, #tpu.memory_space<vmem>>, vector<16xf32>,
      tpu.vector_store_idx %arg5[%get3A_158], %get3A_160 {add = true} : memref<100352xf32, #tpu.memory_space<vmem>>[vector<16xi32>], vector<16xf32>,
      %scan3A_161 = arith.constant 0 : i32
      scf.yield %scan3A_161 : i32
    }
    %scan3A_79 = arith.constant 64 : i32
    "tpu.region"() ({
      %run_scoped3A = tpu.sem_alloc : memref<!tpu.dma_semaphore, #tpu.memory_space<semaphore_mem>>
      %dma_start3A = arith.constant 0 : i32
      %dma_start3A_80 = tpu.memref_slice %arg4[%add3A_65, %dma_start3A] : memref<128x100352xf32, #tpu.memory_space<hbm>> -> memref<1x100352xf32, #tpu.memory_space<hbm>>
      %dma_start3A_81 = tpu.memref_squeeze %dma_start3A_80 : memref<1x100352xf32, #tpu.memory_space<hbm>> -> memref<100352xf32, #tpu.memory_space<hbm>>
      %dma_start3A_82 = arith.constant 0 : i32
      %dma_start3A_83 = tpu.memref_slice %arg4[%add3A_65, %dma_start3A_82] : memref<128x100352xf32, #tpu.memory_space<hbm>> -> memref<1x100352xf32, #tpu.memory_space<hbm>>
      %dma_start3A_84 = tpu.memref_squeeze %dma_start3A_83 : memref<1x100352xf32, #tpu.memory_space<hbm>> -> memref<100352xf32, #tpu.memory_space<hbm>>
      tpu.enqueue_dma source(%arg5 : memref<100352xf32, #tpu.memory_space<vmem>>) target(%dma_start3A_84 : memref<100352xf32, #tpu.memory_space<hbm>>) target_semaphore(%run_scoped3A : memref<!tpu.dma_semaphore, #tpu.memory_space<semaphore_mem>>)
      %dma_wait3A = arith.constant 0 : i32
      %dma_wait3A_85 = tpu.memref_slice %arg4[%add3A_65, %dma_wait3A] : memref<128x100352xf32, #tpu.memory_space<hbm>> -> memref<1x100352xf32, #tpu.memory_space<hbm>>
      %dma_wait3A_86 = tpu.memref_squeeze %dma_wait3A_85 : memref<1x100352xf32, #tpu.memory_space<hbm>> -> memref<100352xf32, #tpu.memory_space<hbm>>
      %dma_wait3A_87 = arith.constant 0 : i32
      %dma_wait3A_88 = tpu.memref_slice %arg4[%add3A_65, %dma_wait3A_87] : memref<128x100352xf32, #tpu.memory_space<hbm>> -> memref<1x100352xf32, #tpu.memory_space<hbm>>
      %dma_wait3A_89 = tpu.memref_squeeze %dma_wait3A_88 : memref<1x100352xf32, #tpu.memory_space<hbm>> -> memref<100352xf32, #tpu.memory_space<hbm>>
      tpu.wait_dma2 semaphore(%run_scoped3A : memref<!tpu.dma_semaphore, #tpu.memory_space<semaphore_mem>>) src(%arg5 : memref<100352xf32, #tpu.memory_space<vmem>>) dst(%dma_wait3A_89 : memref<100352xf32, #tpu.memory_space<hbm>>)
      tpu.yield
    }) : () -> ()
    return
  }
}

module attributes {stable_mosaic.version = 14 : i64} {
  func.func @_var8_body(%arg0: i32, %arg1: memref<4000x128xi32, #tpu.memory_space<vmem>>, %arg2: memref<4000x128xi8, #tpu.memory_space<vmem>>) attributes {dimension_semantics = [#tpu.dimension_semantics<arbitrary>], iteration_bounds = array<i64: 25>, scalar_prefetch = 0 : i64, scratch_operands = 0 : i64, tpu.core_type = #tpu.core_type<tc>, window_params = [{transform_indices = @transform_0, window_bounds = array<i64: 4000, 128>}, {transform_indices = @transform_1, window_bounds = array<i64: 4000, 128>}]} {
    %get3A = arith.constant 0 : index
    %get3A_0 = arith.constant 0 : index
    %get3A_1 = vector.load %arg1[%get3A, %get3A_0] : memref<4000x128xi32, #tpu.memory_space<vmem>>, vector<4000x128xi32>
    %convert_element_type3A = arith.trunci %get3A_1 : vector<4000x128xi32> to vector<4000x128xi8>
    %swap3A = arith.constant 0 : index
    %swap3A_2 = arith.constant 0 : index
    %swap3A_3 = vector.load %arg2[%swap3A, %swap3A_2] : memref<4000x128xi8, #tpu.memory_space<vmem>>, vector<4000x128xi8>
    tpu.vector_store %arg2[%swap3A, %swap3A_2], %convert_element_type3A {strides = array<i32>} : memref<4000x128xi8, #tpu.memory_space<vmem>>, vector<4000x128xi8>,
    return
  }
  func.func @transform_0(%arg0: i32) -> (i32, i32) {
    %c0_i32 = arith.constant 0 : i32
    %c0_i32_0 = arith.constant 0 : i32
    return %arg0, %c0_i32 : i32, i32
  }
  func.func @transform_1(%arg0: i32) -> (i32, i32) {
    %c0_i32 = arith.constant 0 : i32
    %c0_i32_0 = arith.constant 0 : i32
    return %arg0, %c0_i32 : i32, i32
  }
}

module attributes {stable_mosaic.version = 14 : i64} {
  func.func @_combine_body(%arg0: i32, %arg1: memref<1xf32, #tpu.memory_space<smem>>, %arg2: memref<3584x128xi8, #tpu.memory_space<vmem>>, %arg3: memref<128x3584xf32, #tpu.memory_space<vmem>>, %arg4: memref<3584x128xf32, #tpu.memory_space<vmem>>, %arg5: memref<28xf32, #tpu.memory_space<smem>>) attributes {dimension_semantics = [#tpu.dimension_semantics<arbitrary>], iteration_bounds = array<i64: 28>, scalar_prefetch = 0 : i64, scratch_operands = 0 : i64, tpu.core_type = #tpu.core_type<tc>, window_params = [{transform_indices = @transform_0, window_bounds = array<i64: 1>}, {transform_indices = @transform_1, window_bounds = array<i64: 3584, 128>}, {transform_indices = @transform_2, window_bounds = array<i64: 128, 3584>}, {transform_indices = @transform_3, window_bounds = array<i64: 3584, 128>}, {transform_indices = @transform_4, window_bounds = array<i64: 28>}]} {
    %get3A = arith.constant 0 : index
    %get3A_0 = arith.constant 0 : index
    %get3A_1 = vector.load %arg3[%get3A, %get3A_0] : memref<128x3584xf32, #tpu.memory_space<vmem>>, vector<128x3584xf32>
    %transpose3A = tpu.transpose %get3A_1, [1, 0] : vector<128x3584xf32> -> vector<3584x128xf32>
    %iota3A = tpu.iota {dimensions = array<i32: 1>} : vector<3584x128xi32>
    %jit3A = arith.constant 4 : i32
    %eq3A = arith.constant 0 : i32
    %eq3A_2 = arith.cmpi eq, %jit3A, %eq3A : i32
    %jit3A_3 = arith.constant 1 : i32
    %select_n3A = arith.select %eq3A_2, %jit3A_3, %jit3A : i32
    %rem3A = vector.broadcast %select_n3A : i32 to vector<3584x128xi32>
    %rem3A_4 = arith.remsi %iota3A, %rem3A : vector<3584x128xi32>
    %ne3A = arith.constant 0 : i32
    %ne3A_5 = vector.broadcast %ne3A : i32 to vector<3584x128xi32>
    %ne3A_6 = arith.cmpi ne, %rem3A_4, %ne3A_5 : vector<3584x128xi32>
    %lt3A = arith.constant 0 : i32
    %lt3A_7 = vector.broadcast %lt3A : i32 to vector<3584x128xi32>
    %lt3A_8 = arith.cmpi slt, %rem3A_4, %lt3A_7 : vector<3584x128xi32>
    %lt3A_9 = arith.constant 0 : i32
    %lt3A_10 = arith.cmpi slt, %select_n3A, %lt3A_9 : i32
    %ne3A_11 = vector.broadcast %lt3A_10 : i1 to vector<3584x128xi1>
    %ne3A_12 = vector.broadcast %ne3A_11 : vector<3584x128xi1> to vector<3584x128xi1>
    %ne3A_13 = arith.xori %lt3A_8, %ne3A_12 : vector<3584x128xi1>
    %and3A = arith.andi %ne3A_13, %ne3A_6 : vector<3584x128xi1>
    %add3A = vector.broadcast %select_n3A : i32 to vector<3584x128xi32>
    %add3A_14 = arith.addi %rem3A_4, %add3A : vector<3584x128xi32>
    %select_n3A_15 = arith.select %and3A, %add3A_14, %rem3A_4 : vector<3584x128xi1>, vector<3584x128xi32>
    %ne3A_16 = arith.constant 0 : i32
    %ne3A_17 = vector.broadcast %ne3A_16 : i32 to vector<3584x128xi32>
    %ne3A_18 = arith.cmpi ne, %select_n3A_15, %ne3A_17 : vector<3584x128xi32>
    %roll3A = arith.constant 1 : i32
    %roll3A_19 = tpu.dynamic_rotate %transpose3A by %roll3A dim 1 : vector<3584x128xf32>, i32 -> vector<3584x128xf32>
    %jit3A_20 = arith.constant 0.000000e+00 : f32
    %broadcast_in_dim3A = vector.broadcast %jit3A_20 : f32 to vector<3584x128xf32>
    %select_n3A_21 = arith.select %ne3A_18, %roll3A_19, %broadcast_in_dim3A : vector<3584x128xi1>, vector<3584x128xf32>
    %sub3A = arith.subf %transpose3A, %select_n3A_21 : vector<3584x128xf32>
    %get3A_22 = arith.constant 0 : index
    %get3A_23 = arith.constant 0 : index
    %get3A_24 = vector.load %arg2[%get3A_22, %get3A_23] : memref<3584x128xi8, #tpu.memory_space<vmem>>, vector<3584x128xi8>
    %convert_element_type3A = arith.sitofp %get3A_24 : vector<3584x128xi8> to vector<3584x128xf32>
    %get3A_25 = arith.constant 0 : index
    %get3A_26 = memref.load %arg1[%get3A_25] : memref<1xf32, #tpu.memory_space<smem>>
    %mul3A = vector.broadcast %get3A_26 : f32 to vector<3584x128xf32>
    %mul3A_27 = arith.mulf %convert_element_type3A, %mul3A : vector<3584x128xf32>
    %add3A_28 = arith.addf %mul3A_27, %sub3A : vector<3584x128xf32>
    %swap3A = arith.constant 0 : index
    %swap3A_29 = arith.constant 0 : index
    %swap3A_30 = vector.load %arg4[%swap3A, %swap3A_29] : memref<3584x128xf32, #tpu.memory_space<vmem>>, vector<3584x128xf32>
    tpu.vector_store %arg4[%swap3A, %swap3A_29], %add3A_28 {strides = array<i32>} : memref<3584x128xf32, #tpu.memory_space<vmem>>, vector<3584x128xf32>,
    %mul3A_31 = arith.constant 3584 : i32
    %mul3A_32 = arith.muli %arg0, %mul3A_31 : i32
    %iota3A_33 = tpu.iota {dimensions = array<i32: 0>} : vector<3584x128xi32>
    %add3A_34 = vector.broadcast %mul3A_32 : i32 to vector<3584x128xi32>
    %add3A_35 = arith.addi %add3A_34, %iota3A_33 : vector<3584x128xi32>
    %lt3A_36 = arith.constant 100000 : i32
    %lt3A_37 = vector.broadcast %lt3A_36 : i32 to vector<3584x128xi32>
    %lt3A_38 = arith.cmpi slt, %add3A_35, %lt3A_37 : vector<3584x128xi32>
    %abs3A = math.absf %add3A_28 : vector<3584x128xf32>
    %jit3A_39 = arith.constant 0.000000e+00 : f32
    %broadcast_in_dim3A_40 = vector.broadcast %jit3A_39 : f32 to vector<3584x128xf32>
    %select_n3A_41 = arith.select %lt3A_38, %abs3A, %broadcast_in_dim3A_40 : vector<3584x128xi1>, vector<3584x128xf32>
    %reduce_max3A = vector.shape_cast %select_n3A_41 : vector<3584x128xf32> to vector<1x3584x128xf32>
    %reduce_max3A_42 = arith.constant dense<0xFF800000> : vector<1xf32>
    %reduce_max3A_43 = vector.multi_reduction <maximumf>, %reduce_max3A, %reduce_max3A_42 [1, 2] : vector<1x3584x128xf32> to vector<1xf32>
    %reduce_max3A_44 = vector.shape_cast %reduce_max3A_43 : vector<1xf32> to vector<1x1x1xf32>
    %reduce_max3A_45 = vector.extract %reduce_max3A_44[0, 0, 0] : f32 from vector<1x1x1xf32>
    %swap3A_46 = arith.index_cast %arg0 : i32 to index
    %swap3A_47 = memref.load %arg5[%swap3A_46] : memref<28xf32, #tpu.memory_space<smem>>
    memref.store %reduce_max3A_45, %arg5[%swap3A_46] : memref<28xf32, #tpu.memory_space<smem>>
    return
  }
  func.func @transform_0(%arg0: i32) -> i32 {
    %c0_i32 = arith.constant 0 : i32
    %c0_i32_0 = arith.constant 0 : i32
    return %c0_i32 : i32
  }
  func.func @transform_1(%arg0: i32) -> (i32, i32) {
    %c0_i32 = arith.constant 0 : i32
    %c0_i32_0 = arith.constant 0 : i32
    return %arg0, %c0_i32 : i32, i32
  }
  func.func @transform_2(%arg0: i32) -> (i32, i32) {
    %c0_i32 = arith.constant 0 : i32
    %c0_i32_0 = arith.constant 0 : i32
    return %c0_i32, %arg0 : i32, i32
  }
  func.func @transform_3(%arg0: i32) -> (i32, i32) {
    %c0_i32 = arith.constant 0 : i32
    %c0_i32_0 = arith.constant 0 : i32
    return %arg0, %c0_i32 : i32, i32
  }
  func.func @transform_4(%arg0: i32) -> i32 {
    %c0_i32 = arith.constant 0 : i32
    %c0_i32_0 = arith.constant 0 : i32
    return %c0_i32 : i32
  }
}

module attributes {stable_mosaic.version = 14 : i64} {
  func.func @_quant_body(%arg0: i32, %arg1: memref<1xf32, #tpu.memory_space<smem>>, %arg2: memref<4000x128xf32, #tpu.memory_space<vmem>>, %arg3: memref<4000x128xi8, #tpu.memory_space<vmem>>) attributes {dimension_semantics = [#tpu.dimension_semantics<arbitrary>], iteration_bounds = array<i64: 25>, scalar_prefetch = 0 : i64, scratch_operands = 0 : i64, tpu.core_type = #tpu.core_type<tc>, window_params = [{transform_indices = @transform_0, window_bounds = array<i64: 1>}, {transform_indices = @transform_1, window_bounds = array<i64: 4000, 128>}, {transform_indices = @transform_2, window_bounds = array<i64: 4000, 128>}]} {
    %get3A = arith.constant 0 : index
    %get3A_0 = memref.load %arg1[%get3A] : memref<1xf32, #tpu.memory_space<smem>>
    %div3A = arith.constant 1.000000e+00 : f32
    %div3A_1 = arith.divf %div3A, %get3A_0 : f32
    %get3A_2 = arith.constant 0 : index
    %get3A_3 = arith.constant 0 : index
    %get3A_4 = vector.load %arg2[%get3A_2, %get3A_3] : memref<4000x128xf32, #tpu.memory_space<vmem>>, vector<4000x128xf32>
    %mul3A = vector.broadcast %div3A_1 : f32 to vector<4000x128xf32>
    %mul3A_5 = arith.mulf %get3A_4, %mul3A : vector<4000x128xf32>
    %round3A = math.roundeven %mul3A_5 : vector<4000x128xf32>
    %jit3A = arith.constant -128 : i32
    %jit3A_6 = arith.constant 127 : i32
    %convert_element_type3A = arith.sitofp %jit3A : i32 to f32
    %max3A = vector.broadcast %convert_element_type3A : f32 to vector<4000x128xf32>
    %max3A_7 = arith.maximumf %max3A, %round3A : vector<4000x128xf32>
    %convert_element_type3A_8 = arith.sitofp %jit3A_6 : i32 to f32
    %min3A = vector.broadcast %convert_element_type3A_8 : f32 to vector<4000x128xf32>
    %min3A_9 = arith.minimumf %min3A, %max3A_7 : vector<4000x128xf32>
    %convert_element_type3A_10 = arith.fptosi %min3A_9 : vector<4000x128xf32> to vector<4000x128xi8>
    %swap3A = arith.constant 0 : index
    %swap3A_11 = arith.constant 0 : index
    %swap3A_12 = vector.load %arg3[%swap3A, %swap3A_11] : memref<4000x128xi8, #tpu.memory_space<vmem>>, vector<4000x128xi8>
    tpu.vector_store %arg3[%swap3A, %swap3A_11], %convert_element_type3A_10 {strides = array<i32>} : memref<4000x128xi8, #tpu.memory_space<vmem>>, vector<4000x128xi8>,
    return
  }
  func.func @transform_0(%arg0: i32) -> i32 {
    %c0_i32 = arith.constant 0 : i32
    %c0_i32_0 = arith.constant 0 : i32
    return %c0_i32 : i32
  }
  func.func @transform_1(%arg0: i32) -> (i32, i32) {
    %c0_i32 = arith.constant 0 : i32
    %c0_i32_0 = arith.constant 0 : i32
    return %arg0, %c0_i32 : i32, i32
  }
  func.func @transform_2(%arg0: i32) -> (i32, i32) {
    %c0_i32 = arith.constant 0 : i32
    %c0_i32_0 = arith.constant 0 : i32
    return %arg0, %c0_i32 : i32, i32
  }
}

</mosaic_0001>

<sc_bundles>
// kernel: kernel.6.cloned.1.call-start
scs
__scs_entry_jumppad:
0x0: {  	(pc) =	sbr.rel $0x88, $3  }
0x1: {  	(tag) =	ssettag $0x0;
	lr =	simm.s32 $0x1  }
0x2: {  	[smem:$0x3F9C] =	sst lr;
	_ =	strace $0xD0000000  }
0x3: {  	_ = 	snop  }
0x4: {  	_ = 	snop  }
0x5: {  	_ = 	snop  }
0x6: {  	_ = 	snop  }
0x7: {  	_ = 	snop  }
__scs_overlays_trampoline_lowered:
0x8: {  	[smem:$0x3FAB] =	sst s0  }
0x9: {  	[smem:$0x3FAC] =	sst s1  }
0xa: {  	[smem:$0x3FAD] =	sst s2  }
0xb: {  	[smem:$0x3FAE] =	sst s3  }
0xc: {  	[smem:$0x3FAF] =	sst s4  }
0xd: {  	[smem:$0x3FB0] =	sst s5  }
0xe: {  	[smem:$0x3FB1] =	sst s6  }
0xf: {  	[smem:$0x3FB2] =	sst s7  }
0x10: {  	[smem:$0x3FB3] =	sst s8  }
0x11: {  	[smem:$0x3FB4] =	sst s9;
	s0 =	simm.s32 @!p0 $0x0  }
0x12: {  	s1 =	sld [smem:$0x3F9A];
	s0 =	simm.s32 @p0 $0x1  }
0x13: {  	[smem:$0x3FB5] =	sst s0;
	s0 =	simm.s32 @!p1 $0x0  }
0x14: {  	s2 =	sld [smem:$0x3F99];
	s0 =	simm.s32 @p1 $0x1  }
0x15: {  	[smem:$0x3FB6] =	sst s0;
	s0 =	simm.s32 @!p2 $0x0  }
0x16: {  	s3 =	sld [smem:$0x3FDB];
	s0 =	simm.s32 @p2 $0x1  }
0x17: {  	s4 =	simm.s32 $0x1BF5;
	[smem:$0x3FB8] =	sst s0  }
0x18: {  	s0 =	sld [smem:$0x3F9B];
	_ =	swait.ge [sflag:s4], $0x0  }
0x19: {  	s7 =	sld [smem:$0x3F9C]  }
0x1a: {  	s8 =	sadd.s32 $0xFFFFE003, lr  }
0x1b: {  	s9 =	sadd.s32 $0xFFFFFEF7, lr;
	s5 =	simm.s32 $0xFFFFFFFF;
	p2 =	slt.u32 s8, $0xFFFFF086  }
0x1c: {  	p1 =	slt.u32 s9, $0xF7A;
	s5 =	simm.s32 @!p2 $0x0  }
0x1d: {  	s5 =	simm.s32 @p1 $0x1;
	p0 =	seq.s32 s7, s2  }
0x1e: {  	s7 =	smul.u32 @!p0 $0xF7A, s2;
	p2 =	seq.s32 @!p0 s5, $0x0  }
0x1f: {  	s9 =	smul.u32 $0xF7A, s1;
	s8 =	simm.s32 @!p0 $0x1BF5;
	p2 =	por !p2, p0  }
0x20: {  	[sflag:s8] =	ssyncset.s32 @!p0 $0xFFFFF086;
	s6 =	sadd.s32 @!p0 s3, s7;
	s7 =	simm.s32 @!p0 $0x108  }
0x21: {  	s3 =	sadd.s32 s3, s9;
	s6 =	sadd.s32 @!p0 $0x88, s6;
	s7 =	simm.s32 @p2 $0x1082  }
0x22: {  	[simem:s7], [sflag:s8] =	dma.local @!p0 [hbm:s6], $0xF7A  }
0x23: {  	s9 =	sor.u32 $0xD0000000, s2;
	s6 =	simm.s32 $0x108;
	_ =	swait.ge @!p0 [sflag:s8], $0x0  }
0x24: {  	s3 =	sadd.s32 $0x88, s3;
	s6 =	simm.s32 @!p1 $0x1082;
	[sflag:s4] =	ssyncset.s32 $0xFFFFF086  }
0x25: {  	[simem:s6], [sflag:s4] =	dma.local [hbm:s3], $0xF7A  }
0x26: {  	[smem:$0x3F9C] =	sst s1;
	(tag) =	ssettag s2;
	_ =	strace s9  }
0x27: {  	s1 =	sld [smem:$0x3FAC]  }
0x28: {  	s2 =	sld [smem:$0x3FAD]  }
0x29: {  	s4 =	sld [smem:$0x3FAF]  }
0x2a: {  	p0 =	seq.s32 s5, $0x0;
	s5 =	sld [smem:$0x3FB0]  }
0x2b: {  	s6 =	sld [smem:$0x3FB1]  }
0x2c: {  	s7 =	sld [smem:$0x3FB2]  }
0x2d: {  	s3 =	simm.s32 $0x108;
	s8 =	sld [smem:$0x3FB3]  }
0x2e: {  	s3 =	simm.s32 @!p0 $0x1082;
	s9 =	sld [smem:$0x3FB4]  }
0x2f: {  	lr =	sadd.s32 s0, s3;
	s0 =	sld [smem:$0x3FAB]  }
0x30: {  	s3 =	sld [smem:$0x3FAE]  }
0x31: {  	[smem:$0x3FB7] =	sst s10  }
0x32: {  	s10 =	sld [smem:$0x3FB5];
	_ =	sdelay $0x3  }
0x33: {  	p0 =	seq.s32 s10, $0x1;
	s10 =	sld [smem:$0x3FB7];
	_ =	sdelay $0x3  }
0x34: {  	[smem:$0x3FB7] =	sst s10  }
0x35: {  	s10 =	sld [smem:$0x3FB6];
	_ =	sdelay $0x3  }
0x36: {  	p1 =	seq.s32 s10, $0x1;
	s10 =	sld [smem:$0x3FB7];
	_ =	sdelay $0x3  }
0x37: {  	[smem:$0x3FB7] =	sst s10  }
0x38: {  	s10 =	sld [smem:$0x3FB8]  }
0x39: {  	_ = 	snop;
	(pc) =	sbr.ind lr, $3  }
0x3a: {  	_ = 	snop  }
0x3b: {  	_ = 	snop  }
0x3c: {  	p2 =	seq.s32 s10, $0x1;
	s10 =	sld [smem:$0x3FB7]  }
0x3d: {  	_ =	shalt  }
0x3e: {  	_ =	shalt  }
0x3f: {  	_ =	shalt  }
0x40: {  	_ =	shalt  }
0x41: {  	_ =	shalt  }
0x42: {  	_ =	shalt  }
0x43: {  	_ =	shalt  }
0x44: {  	_ =	shalt  }
0x45: {  	_ =	shalt  }
0x46: {  	_ =	shalt  }
0x47: {  	_ =	shalt  }
0x48: {  	_ =	shalt  }
0x49: {  	_ =	shalt  }
0x4a: {  	_ =	shalt  }
0x4b: {  	_ =	shalt  }
0x4c: {  	_ =	shalt  }
0x4d: {  	_ =	shalt  }
0x4e: {  	_ =	shalt  }
0x4f: {  	_ =	shalt  }
0x50: {  	_ =	shalt  }
0x51: {  	_ =	shalt  }
0x52: {  	_ =	shalt  }
0x53: {  	_ =	shalt  }
0x54: {  	_ =	shalt  }
0x55: {  	_ =	shalt  }
0x56: {  	_ =	shalt  }
0x57: {  	_ =	shalt  }
0x58: {  	_ =	shalt  }
0x59: {  	_ =	shalt  }
0x5a: {  	_ =	shalt  }
0x5b: {  	_ =	shalt  }
0x5c: {  	_ =	shalt  }
0x5d: {  	_ =	shalt  }
0x5e: {  	_ =	shalt  }
0x5f: {  	_ =	shalt  }
0x60: {  	_ =	shalt  }
0x61: {  	_ =	shalt  }
0x62: {  	_ =	shalt  }
0x63: {  	_ =	shalt  }
0x64: {  	_ =	shalt  }
0x65: {  	_ =	shalt  }
0x66: {  	_ =	shalt  }
0x67: {  	_ =	shalt  }
0x68: {  	_ =	shalt  }
0x69: {  	_ =	shalt  }
0x6a: {  	_ =	shalt  }
0x6b: {  	_ =	shalt  }
0x6c: {  	_ =	shalt  }
0x6d: {  	_ =	shalt  }
0x6e: {  	_ =	shalt  }
0x6f: {  	_ =	shalt  }
0x70: {  	_ =	shalt  }
0x71: {  	_ =	shalt  }
0x72: {  	_ =	shalt  }
0x73: {  	_ =	shalt  }
0x74: {  	_ =	shalt  }
0x75: {  	_ =	shalt  }
0x76: {  	_ =	shalt  }
0x77: {  	_ =	shalt  }
0x78: {  	_ =	shalt  }
0x79: {  	_ =	shalt  }
0x7a: {  	_ =	shalt  }
0x7b: {  	_ =	shalt  }
0x7c: {  	_ =	shalt  }
0x7d: {  	_ =	shalt  }
0x7e: {  	_ =	shalt  }
0x7f: {  	_ =	shalt  }
0x80: {  	_ =	shalt  }
0x81: {  	_ =	shalt  }
0x82: {  	_ =	shalt  }
0x83: {  	_ =	shalt  }
0x84: {  	_ =	shalt  }
0x85: {  	_ =	shalt  }
0x86: {  	_ =	shalt  }
0x87: {  	_ =	shalt  }
.Lfunc_end0:
.L_simem_size_0:
called_computation_lowered:
.L_overlay_start_0:
0x88: {  	s2 =	sld [smem:$0x3FD9]  }
0x89: {  	s3 =	sld [smem:$0x3FFE];
	_ =	sdelay $0x1  }
0x8a: {  	s1 =	srdreg.scid  }
0x8b: {  	s0 =	sand.u32 $0x1, s1  }
0x8c: {  	s14 =	sshll.u32 s0, $0xA;
	s2 =	sadd.s32 s3, s2  }
0x8d: {  	s2 =	sadd.s32 s2, s14  }
0x8e: {  	[smem:$0x3FC3] =	sst s2  }
0x8f: {  	_ = 	snop  }
0x90: {  	s2 =	sld [smem:$0x3FD0];
	_ =	sdelay $0x2  }
0x91: {  	s15 =	simm.s32 $0xA;
	s4 =	simm.s32 $0x10  }
0x92: {  	[smem:s4], [sflag:s15] =	dma.local [hbm:s2], $0x1  }
0x93: {  	_ =	swait.eq [sflag:s15], $0x1  }
0x94: {  	[sflag:s15] =	ssyncset.done $0x0  }
0x95: {  	s16 =	sld [smem:$0x10];
	[sflag:s15] =	ssyncadd.s32 $0xFFFFFFFF  }
0x96: {  	s17 =	sld [smem:$0x11];
	(tm) =	ssettm $0x1  }
0x97: {  	s18 =	sld [smem:$0x3FFB];
	_ =	sdelay $0x3  }
0x98: {  	_ =	strace s18  }
0x99: {  	s4 =	sld [smem:$0x3FFC];
	_ =	sdelay $0x3  }
0x9a: {  	_ =	strace s4  }
0x9b: {  	s4 =	sld [smem:$0x3FFD];
	_ =	sdelay $0x3  }
0x9c: {  	_ =	strace s4  }
0x9d: {  	_ =	strace $0x8FFFFFFF  }
0x9e: {  	s19 =	sld [smem:$0x3FDB];
	_ =	sdelay $0x1  }
0x9f: {  	s5 =	simm.s32 $_scs_section_size  }
0xa0: {  	s6 =	simm.s32 $_size__tile_overlayer_lowered;
	s7 =	simm.s32 $_tile_overlayer_lowered  }
0xa1: {  	s22 =	simm.s32 $0x1BFF;
	s21 =	sshll.u32 s7, $0x1;
	s4 =	sadd.s32 s5, s19  }
0xa2: {  	s8 =	simm.s32 $0x0;
	s20 =	sshll.u32 s6, $0x1;
	s6 =	sadd.s32 s21, s4  }
0xa3: {  	[timem:s8], [sflag:s22] =	dma.local [hbm:s6], s20  }
0xa4: {  	_ =	swait.ge [sflag:s22], s20  }
0xa5: {  	s5 =	ssub.s32 $0x0, s20;
	[sflag:s22] =	ssyncset.done $0x0  }
0xa6: {  	[sflag:s22] =	ssyncadd.s32 s5;
	_ =	sdelay $0x1  }
0xa7: {  	s23 =	simm.s32 $0x1B8B  }
0xa8: {  	_ =	swait.ge [sflag:s23], $0x1  }
0xa9: {  	[sflag:s23] =	ssyncset.done $0x0  }
0xaa: {  	s25 =	simm.s32 $0x1B8E;
	s24 =	sld [smem:$0x3FFE];
	[sflag:s23] =	ssyncadd.s32 $0xFFFFFFFF  }
0xab: {  	s26 =	simm.s32 $execute0_lowered;
	[smem:$0x3FD2] =	sst s25  }
0xac: {  	s6 =	sshll.u32 s26, $0x1;
	_ =	strace $0x80000046;
	[dreg:$0x1] =	wrdreg $0xFFFFFFFF  }
0xad: {  	s28 =	simm.s32 $_size_execute0_lowered;
	s4 =	sadd.s32 s4, s6;
	[dreg:$0x0] =	wrdreg $0x0  }
0xae: {  	s6 =	sshll.u32 s28, $0x1;
	[dreg:$0x2] =	wrdreg s4  }
0xaf: {  	[dreg:$0x3] =	wrdreg s6  }
0xb0: {  	[dreg:$0x4] =	wrdreg $0xC0  }
0xb1: {  	_ =	task [dreg:s8], $0x5FFFF  }
0xb2: {  	[dreg:$0x1] =	wrdreg $0xFFFFFFFF  }
0xb3: {  	[dreg:$0x0] =	wrdreg $0x60  }
0xb4: {  	[dreg:$0x2] =	wrdreg s16  }
0xb5: {  	[dreg:$0x3] =	wrdreg s17  }
0xb6: {  	[dreg:$0x4] =	wrdreg s24  }
0xb7: {  	[dreg:$0x5] =	wrdreg $0x9  }
0xb8: {  	_ =	task.clear_ibuf [dreg:s8], $0x6FFFF;
	_ =	strace $0x90000046  }
0xb9: {  	s29 =	simm.s32 $0x9;
	_ =	strace $0x80000048  }
0xba: {  	_ =	swait.ge [sflag:s29], $0x1  }
0xbb: {  	[sflag:s29] =	ssyncadd.s32 $0xFFFFFFFF  }
0xbc: {  	_ =	strace $0x90000048  }
0xbd: {  	_ =	sfence  }
0xbe: {  	s30 =	sld [smem:$0x0];
	_ =	sdelay $0x2  }
0xbf: {  	s31 =	sshll.u32 s1, $0xD;
	s1 =	sshrl.u32 s1, $0x2  }
0xc0: {  	s3 =	sand.u32 $0x4000, s31;
	s1 =	sadd.s32 s1, s30  }
0xc1: {  	s0 =	sor.u32 s3, s0;
	s1 =	sshll.u32 s1, $0x11  }
0xc2: {  	s0 =	sor.u32 s1, s0  }
0xc3: {  	s0 =	sadd.s32 $0x8F2B, s0  }
0xc4: {  	[sflag:s0] =	ssyncadd.remote.s32 $0x1  }
0xc5: {  	_ =	sfence.sel $0xFFFF  }
0xc6: {  	[dreg:$0x0] =	wrdreg $0xFFFFFFFF;
	(pc) =	sbr.abs _section_cstart, $3  }
0xc7: {  	[dreg:$0x1] =	wrdreg $0xFFFFFFFF  }
0xc8: {  	_ =	task.clear_ibuf [dreg:s8], $0x2FFFF;
	_ =	strace $0x9FFFFFFF  }
0xc9: {  	(tm) =	ssettm $0x7FFFFFFF  }
tec
execute0_lowered:
.L_overlay_start_1:
0x0: {  	(tag) =	ssettag $0x1  }
0x1: {  	s15 =	rddreg [dreg:$0x0]  }
0x2: {  	s16 =	rddreg [dreg:$0x1]  }
0x3: {  	s3 =	rddreg [dreg:$0x2]  }
0x4: {  	s0 =	rddreg [dreg:$0x3];
	s2 =	simm.s32 $0x0;
	s4 =	srdreg.scid  }
0x5: {  	s1 =	stileid.u32;
	[smem:$0x7FF] =	sst s2;
	s4 =	sand.u32 $0x1, s4  }
0x6: {  	s14 =	sshll.u32 s1, $0x11;
	s18 =	sadd.s32 $0x600, s3;
	s17 =	smul.u32 $0xC4000, s1  }
0x7: {  	s20 =	sadd.s32 $0x2000, s16;
	s13 =	sshll.u32 s4, $0x9;
	s24 =	ssub.s32 $0x2, s4  }
0x8: {  	_ =	strace $0x80000047;
	s25 =	sor.u32 s13, s14;
	s5 =	sshrl.u32 s24, $0x1  }
0x9: {  	s7 =	sor.u32 s13, s17;
	s8 =	sor.u32 $0x80, s13;
	s21 =	sor.u32 $0x100, s13  }
0xa: {  	s23 =	sor.u32 $0x180, s13;
	s6 =	sshrl.u32 s25, $0x3;
	s19 =	ssub.s32 s24, s5  }
0xb: {  	s26 =	sshrl.u32 s7, $0x3;
	s28 =	sor.u32 s14, s8;
	s10 =	sor.u32 s17, s8  }
0xc: {  	s11 =	sor.u32 s14, s21;
	s21 =	sor.u32 s17, s21;
	s29 =	sor.u32 s14, s23  }
0xd: {  	s17 =	sor.u32 s17, s23;
	s23 =	simm.s32 $0x1;
	s24 =	simm.s32 $0x1C800  }
0xe: {  	s25 =	simm.s32 $0x0;
	s3 =	sadd.s32 s15, s6;
	s4 =	sadd.s32 s16, s6  }
0xf: {  	s5 =	sadd.s32 s6, s20;
	s6 =	sadd.s32 s18, s26;
	s9 =	sshrl.u32 s28, $0x3  }
0x10: {  	s10 =	sshrl.u32 s10, $0x3;
	s22 =	sshrl.u32 s11, $0x3;
	s21 =	sshrl.u32 s21, $0x3  }
0x11: {  	s30 =	sshrl.u32 s29, $0x3;
	s31 =	sshrl.u32 s17, $0x3;
	s19 =	smax.u32 s19, $0x1  }
0x12: {  	s7 =	sadd.s32 s15, s9;
	s8 =	sadd.s32 s16, s9;
	s9 =	sadd.s32 s9, s20  }
0x13: {  	s10 =	sadd.s32 s18, s10;
	s11 =	sadd.s32 s15, s22;
	s12 =	sadd.s32 s16, s22  }
0x14: {  	s13 =	sadd.s32 s22, s20;
	s14 =	sadd.s32 s18, s21;
	s15 =	sadd.s32 s15, s30  }
0x15: {  	s16 =	sadd.s32 s16, s30;
	s17 =	sadd.s32 s30, s20;
	s18 =	sadd.s32 s18, s31  }
0x16: {  	v0 =	vimm.f32 $0.0e+00;
	s20 =	simm.s32 $0x80;
	s21 =	simm.s32 $0x400;
	s22 =	simm.s32 $0x18800  }
.LBB2_1:
0x17: {  	s26 =	simm.s32 $0x0;
	s28 =	simm.s32 $0x200  }
.LBB2_2:
0x18: {  	p0 =	sne.s32 s28, $0x61E00;
	[tilespmem:s26+$0x70] =	vst v0  }
0x19: {  	[tilespmem:s26+$0x0] =	vst v0  }
0x1a: {  	[tilespmem:s26+$0x10] =	vst v0  }
.Ltmp0:
0x1b: {  	[tilespmem:s26+$0x20] =	vst v0;
	(pc) =	sbr.rel @p0 .LBB2_2-.Ltmp0, $4  }
0x1c: {  	[tilespmem:s26+$0x30] =	vst v0  }
0x1d: {  	[tilespmem:s26+$0x40] =	vst v0  }
0x1e: {  	[tilespmem:s26+$0x50] =	vst v0  }
0x1f: {  	[tilespmem:s26+$0x60] =	vst v0;
	s26 =	sshra.s32 s28, $0x2;
	s28 =	sadd.s32 $0x200, s28  }
0x20: {  	[tilespmem:s26+$0x70] =	vst v0  }
0x21: {  	[tilespmem:s26+$0x0] =	vst v0  }
0x22: {  	[tilespmem:s26+$0x10] =	vst v0  }
0x23: {  	[tilespmem:s26+$0x20] =	vst v0  }
0x24: {  	[tilespmem:s26+$0x30] =	vst v0  }
0x25: {  	[tilespmem:s26+$0x40] =	vst v0  }
0x26: {  	[tilespmem:s26+$0x50] =	vst v0  }
0x27: {  	[tilespmem:s26+$0x60] =	vst v0  }
0x28: {  	[tilespmem:s22], [sflag:$0x1] =	stream.strided.gather [hbm4b:s3+s20], $0x4000, s21, s20, $0x38;
	[tilespmem:$0x1E800] =	vst v63  }
0x29: {  	_ =	swait.ge [sflag:s23], $0x4000  }
0x2a: {  	[sflag:s23] =	ssyncset.done $0x0  }
0x2b: {  	[sflag:s23] =	ssyncadd.s32 $0xFFFFC000  }
0x2c: {  	[tilespmem:s24], [sflag:$0x1] =	stream.strided.gather [hbm4b:s4+s20], $0x2000, s21, s20, $0x38;
	[tilespmem:$0x1E800] =	vst v63  }
0x2d: {  	_ =	swait.ge [sflag:s23], $0x2000  }
0x2e: {  	[sflag:s23] =	ssyncset.done $0x0  }
0x2f: {  	s26 =	simm.s32 $0x0;
	[sflag:s23] =	ssyncadd.s32 $0xFFFFE000  }
.LBB2_4:
0x30: {  	s28 =	sshra.s32 s26, $0x2  }
0x31: {  	v1 =	vld [tilespmem:s28+$0x18800];
	_ =	sdelay $0x2  }
0x32: {  	v2 =	vld [tilespmem:s28+$0x1C800];
	_ =	sdelay $0x4  }
0x33: {  	[tilespmem:v1+s2+$0x0] =	vst.idx.add.f32.msk $0xffff, v2  }
0x34: {  	v1 =	vld [tilespmem:s28+$0x18810];
	_ =	sdelay $0x2  }
0x35: {  	v2 =	vld [tilespmem:s28+$0x1C810];
	_ =	sdelay $0x4  }
0x36: {  	[tilespmem:v1+s2+$0x0] =	vst.idx.add.f32.msk $0xffff, v2  }
0x37: {  	v1 =	vld [tilespmem:s28+$0x18820];
	_ =	sdelay $0x2  }
0x38: {  	v2 =	vld [tilespmem:s28+$0x1C820];
	_ =	sdelay $0x4  }
0x39: {  	[tilespmem:v1+s2+$0x0] =	vst.idx.add.f32.msk $0xffff, v2  }
0x3a: {  	v1 =	vld [tilespmem:s28+$0x18830];
	_ =	sdelay $0x2  }
0x3b: {  	v2 =	vld [tilespmem:s28+$0x1C830];
	_ =	sdelay $0x4  }
0x3c: {  	[tilespmem:v1+s2+$0x0] =	vst.idx.add.f32.msk $0xffff, v2  }
0x3d: {  	v1 =	vld [tilespmem:s28+$0x18840];
	_ =	sdelay $0x2  }
0x3e: {  	v2 =	vld [tilespmem:s28+$0x1C840];
	_ =	sdelay $0x4  }
0x3f: {  	[tilespmem:v1+s2+$0x0] =	vst.idx.add.f32.msk $0xffff, v2  }
0x40: {  	v1 =	vld [tilespmem:s28+$0x18850];
	_ =	sdelay $0x2  }
0x41: {  	v2 =	vld [tilespmem:s28+$0x1C850];
	_ =	sdelay $0x4  }
0x42: {  	[tilespmem:v1+s2+$0x0] =	vst.idx.add.f32.msk $0xffff, v2  }
0x43: {  	v1 =	vld [tilespmem:s28+$0x18860];
	_ =	sdelay $0x2  }
0x44: {  	v2 =	vld [tilespmem:s28+$0x1C860];
	_ =	sdelay $0x4  }
0x45: {  	[tilespmem:v1+s2+$0x0] =	vst.idx.add.f32.msk $0xffff, v2  }
0x46: {  	v1 =	vld [tilespmem:s28+$0x18870];
	_ =	sdelay $0x2  }
0x47: {  	p0 =	sne.s32 s26, $0x7E00;
	v2 =	vld [tilespmem:s28+$0x1C870]  }
.Ltmp1:
0x48: {  	_ = 	snop;
	(pc) =	sbr.rel @p0 .LBB2_4-.Ltmp1, $2  }
0x49: {  	_ =	sdelay $0x2  }
0x4a: {  	s26 =	sadd.s32 $0x200, s26;
	[tilespmem:v1+s2+$0x0] =	vst.idx.add.f32.msk $0xffff, v2  }
0x4b: {  	[tilespmem:s24], [sflag:$0x1] =	stream.strided.gather [hbm4b:s5+s20], $0x2000, s21, s20, $0x38;
	[tilespmem:$0x1E800] =	vst v63  }
0x4c: {  	_ =	swait.ge [sflag:s23], $0x2000  }
0x4d: {  	[sflag:s23] =	ssyncset.done $0x0  }
0x4e: {  	s26 =	simm.s32 $0x100;
	[sflag:s23] =	ssyncadd.s32 $0xFFFFE000  }
.LBB2_6:
0x4f: {  	s28 =	sshra.s32 s26, $0x2  }
0x50: {  	v1 =	vld [tilespmem:s28+$0x1A7C0];
	_ =	sdelay $0x2  }
0x51: {  	v2 =	vld [tilespmem:s28+$0x1C7C0];
	_ =	sdelay $0x4  }
0x52: {  	[tilespmem:v1+s2+$0x0] =	vst.idx.add.f32.msk $0xffff, v2  }
0x53: {  	v1 =	vld [tilespmem:s28+$0x1A7D0];
	_ =	sdelay $0x2  }
0x54: {  	v2 =	vld [tilespmem:s28+$0x1C7D0];
	_ =	sdelay $0x4  }
0x55: {  	[tilespmem:v1+s2+$0x0] =	vst.idx.add.f32.msk $0xffff, v2  }
0x56: {  	v1 =	vld [tilespmem:s28+$0x1A7E0];
	_ =	sdelay $0x2  }
0x57: {  	v2 =	vld [tilespmem:s28+$0x1C7E0];
	_ =	sdelay $0x4  }
0x58: {  	[tilespmem:v1+s2+$0x0] =	vst.idx.add.f32.msk $0xffff, v2  }
0x59: {  	v1 =	vld [tilespmem:s28+$0x1A7F0];
	_ =	sdelay $0x2  }
0x5a: {  	v2 =	vld [tilespmem:s28+$0x1C7F0];
	_ =	sdelay $0x4  }
0x5b: {  	[tilespmem:v1+s2+$0x0] =	vst.idx.add.f32.msk $0xffff, v2  }
0x5c: {  	v1 =	vld [tilespmem:s28+$0x1A800];
	_ =	sdelay $0x2  }
0x5d: {  	v2 =	vld [tilespmem:s28+$0x1C800];
	_ =	sdelay $0x4  }
0x5e: {  	[tilespmem:v1+s2+$0x0] =	vst.idx.add.f32.msk $0xffff, v2  }
0x5f: {  	v1 =	vld [tilespmem:s28+$0x1A810];
	_ =	sdelay $0x2  }
0x60: {  	v2 =	vld [tilespmem:s28+$0x1C810];
	_ =	sdelay $0x4  }
0x61: {  	[tilespmem:v1+s2+$0x0] =	vst.idx.add.f32.msk $0xffff, v2  }
0x62: {  	v1 =	vld [tilespmem:s28+$0x1A820];
	_ =	sdelay $0x2  }
0x63: {  	v2 =	vld [tilespmem:s28+$0x1C820];
	_ =	sdelay $0x4  }
0x64: {  	[tilespmem:v1+s2+$0x0] =	vst.idx.add.f32.msk $0xffff, v2  }
0x65: {  	v1 =	vld [tilespmem:s28+$0x1A830];
	_ =	sdelay $0x2  }
0x66: {  	p0 =	sne.s32 s26, $0x7F00;
	v2 =	vld [tilespmem:s28+$0x1C830]  }
.Ltmp2:
0x67: {  	_ = 	snop;
	(pc) =	sbr.rel @p0 .LBB2_6-.Ltmp2, $2  }
0x68: {  	_ =	sdelay $0x2  }
0x69: {  	s26 =	sadd.s32 $0x200, s26;
	[tilespmem:v1+s2+$0x0] =	vst.idx.add.f32.msk $0xffff, v2  }
0x6a: {  	s26 =	simm.s32 $0x0  }
0x6b: {  	[hbm4b:s6+s20] =	stream.strided.scatter [tilespmem:s26], [sflag:$0x1], $0x18800, s21, s20, $0x38;
	[tilespmem:$0x1E800] =	vst v63  }
0x6c: {  	_ =	swait.ge [sflag:s23], $0x18800  }
0x6d: {  	[sflag:s23] =	ssyncset.done $0x0  }
0x6e: {  	[sflag:s23] =	ssyncadd.s32 $0xFFFE7800  }
0x6f: {  	[tilespmem:s22], [sflag:$0x1] =	stream.strided.gather [hbm4b:s7+s20], $0x4000, s21, s20, $0x38;
	[tilespmem:$0x1E800] =	vst v63  }
0x70: {  	_ =	swait.ge [sflag:s23], $0x4000  }
0x71: {  	[sflag:s23] =	ssyncset.done $0x0  }
0x72: {  	[sflag:s23] =	ssyncadd.s32 $0xFFFFC000  }
0x73: {  	[tilespmem:s24], [sflag:$0x1] =	stream.strided.gather [hbm4b:s8+s20], $0x2000, s21, s20, $0x38;
	[tilespmem:$0x1E800] =	vst v63  }
0x74: {  	_ =	swait.ge [sflag:s23], $0x2000  }
0x75: {  	[sflag:s23] =	ssyncset.done $0x0  }
0x76: {  	[sflag:s23] =	ssyncadd.s32 $0xFFFFE000  }
.LBB2_8:
0x77: {  	s28 =	sshra.s32 s26, $0x2  }
0x78: {  	v1 =	vld [tilespmem:s28+$0x18800];
	_ =	sdelay $0x2  }
0x79: {  	v2 =	vld [tilespmem:s28+$0x1C800];
	_ =	sdelay $0x4  }
0x7a: {  	[tilespmem:v1+s2+$0x0] =	vst.idx.add.f32.msk $0xffff, v2  }
0x7b: {  	v1 =	vld [tilespmem:s28+$0x18810];
	_ =	sdelay $0x2  }
0x7c: {  	v2 =	vld [tilespmem:s28+$0x1C810];
	_ =	sdelay $0x4  }
0x7d: {  	[tilespmem:v1+s2+$0x0] =	vst.idx.add.f32.msk $0xffff, v2  }
0x7e: {  	v1 =	vld [tilespmem:s28+$0x18820];
	_ =	sdelay $0x2  }
0x7f: {  	v2 =	vld [tilespmem:s28+$0x1C820];
	_ =	sdelay $0x4  }
0x80: {  	[tilespmem:v1+s2+$0x0] =	vst.idx.add.f32.msk $0xffff, v2  }
0x81: {  	v1 =	vld [tilespmem:s28+$0x18830];
	_ =	sdelay $0x2  }
0x82: {  	v2 =	vld [tilespmem:s28+$0x1C830];
	_ =	sdelay $0x4  }
0x83: {  	[tilespmem:v1+s2+$0x0] =	vst.idx.add.f32.msk $0xffff, v2  }
0x84: {  	v1 =	vld [tilespmem:s28+$0x18840];
	_ =	sdelay $0x2  }
0x85: {  	v2 =	vld [tilespmem:s28+$0x1C840];
	_ =	sdelay $0x4  }
0x86: {  	[tilespmem:v1+s2+$0x0] =	vst.idx.add.f32.msk $0xffff, v2  }
0x87: {  	v1 =	vld [tilespmem:s28+$0x18850];
	_ =	sdelay $0x2  }
0x88: {  	v2 =	vld [tilespmem:s28+$0x1C850];
	_ =	sdelay $0x4  }
0x89: {  	[tilespmem:v1+s2+$0x0] =	vst.idx.add.f32.msk $0xffff, v2  }
0x8a: {  	v1 =	vld [tilespmem:s28+$0x18860];
	_ =	sdelay $0x2  }
0x8b: {  	v2 =	vld [tilespmem:s28+$0x1C860];
	_ =	sdelay $0x4  }
0x8c: {  	[tilespmem:v1+s2+$0x0] =	vst.idx.add.f32.msk $0xffff, v2  }
0x8d: {  	v1 =	vld [tilespmem:s28+$0x18870];
	_ =	sdelay $0x2  }
0x8e: {  	p0 =	sne.s32 s26, $0x7E00;
	v2 =	vld [tilespmem:s28+$0x1C870]  }
.Ltmp3:
0x8f: {  	_ = 	snop;
	(pc) =	sbr.rel @p0 .LBB2_8-.Ltmp3, $2  }
0x90: {  	_ =	sdelay $0x2  }
0x91: {  	s26 =	sadd.s32 $0x200, s26;
	[tilespmem:v1+s2+$0x0] =	vst.idx.add.f32.msk $0xffff, v2  }
0x92: {  	[tilespmem:s24], [sflag:$0x1] =	stream.strided.gather [hbm4b:s9+s20], $0x2000, s21, s20, $0x38;
	[tilespmem:$0x1E800] =	vst v63  }
0x93: {  	_ =	swait.ge [sflag:s23], $0x2000  }
0x94: {  	[sflag:s23] =	ssyncset.done $0x0  }
0x95: {  	s26 =	simm.s32 $0x100;
	[sflag:s23] =	ssyncadd.s32 $0xFFFFE000  }
.LBB2_10:
0x96: {  	s28 =	sshra.s32 s26, $0x2  }
0x97: {  	v1 =	vld [tilespmem:s28+$0x1A7C0];
	_ =	sdelay $0x2  }
0x98: {  	v2 =	vld [tilespmem:s28+$0x1C7C0];
	_ =	sdelay $0x4  }
0x99: {  	[tilespmem:v1+s2+$0x0] =	vst.idx.add.f32.msk $0xffff, v2  }
0x9a: {  	v1 =	vld [tilespmem:s28+$0x1A7D0];
	_ =	sdelay $0x2  }
0x9b: {  	v2 =	vld [tilespmem:s28+$0x1C7D0];
	_ =	sdelay $0x4  }
0x9c: {  	[tilespmem:v1+s2+$0x0] =	vst.idx.add.f32.msk $0xffff, v2  }
0x9d: {  	v1 =	vld [tilespmem:s28+$0x1A7E0];
	_ =	sdelay $0x2  }
0x9e: {  	v2 =	vld [tilespmem:s28+$0x1C7E0];
	_ =	sdelay $0x4  }
0x9f: {  	[tilespmem:v1+s2+$0x0] =	vst.idx.add.f32.msk $0xffff, v2  }
0xa0: {  	v1 =	vld [tilespmem:s28+$0x1A7F0];
	_ =	sdelay $0x2  }
0xa1: {  	v2 =	vld [tilespmem:s28+$0x1C7F0];
	_ =	sdelay $0x4  }
0xa2: {  	[tilespmem:v1+s2+$0x0] =	vst.idx.add.f32.msk $0xffff, v2  }
0xa3: {  	v1 =	vld [tilespmem:s28+$0x1A800];
	_ =	sdelay $0x2  }
0xa4: {  	v2 =	vld [tilespmem:s28+$0x1C800];
	_ =	sdelay $0x4  }
0xa5: {  	[tilespmem:v1+s2+$0x0] =	vst.idx.add.f32.msk $0xffff, v2  }
0xa6: {  	v1 =	vld [tilespmem:s28+$0x1A810];
	_ =	sdelay $0x2  }
0xa7: {  	v2 =	vld [tilespmem:s28+$0x1C810];
	_ =	sdelay $0x4  }
0xa8: {  	[tilespmem:v1+s2+$0x0] =	vst.idx.add.f32.msk $0xffff, v2  }
0xa9: {  	v1 =	vld [tilespmem:s28+$0x1A820];
	_ =	sdelay $0x2  }
0xaa: {  	v2 =	vld [tilespmem:s28+$0x1C820];
	_ =	sdelay $0x4  }
0xab: {  	[tilespmem:v1+s2+$0x0] =	vst.idx.add.f32.msk $0xffff, v2  }
0xac: {  	v1 =	vld [tilespmem:s28+$0x1A830];
	_ =	sdelay $0x2  }
0xad: {  	p0 =	sne.s32 s26, $0x7F00;
	v2 =	vld [tilespmem:s28+$0x1C830]  }
.Ltmp4:
0xae: {  	_ = 	snop;
	(pc) =	sbr.rel @p0 .LBB2_10-.Ltmp4, $2  }
0xaf: {  	_ =	sdelay $0x2  }
0xb0: {  	s26 =	sadd.s32 $0x200, s26;
	[tilespmem:v1+s2+$0x0] =	vst.idx.add.f32.msk $0xffff, v2  }
0xb1: {  	s26 =	simm.s32 $0x0  }
0xb2: {  	[hbm4b:s10+s20] =	stream.strided.scatter [tilespmem:s26], [sflag:$0x1], $0x18800, s21, s20, $0x38;
	[tilespmem:$0x1E800] =	vst v63  }
0xb3: {  	_ =	swait.ge [sflag:s23], $0x18800  }
0xb4: {  	[sflag:s23] =	ssyncset.done $0x0  }
0xb5: {  	[sflag:s23] =	ssyncadd.s32 $0xFFFE7800  }
0xb6: {  	[tilespmem:s22], [sflag:$0x1] =	stream.strided.gather [hbm4b:s11+s20], $0x4000, s21, s20, $0x38;
	[tilespmem:$0x1E800] =	vst v63  }
0xb7: {  	_ =	swait.ge [sflag:s23], $0x4000  }
0xb8: {  	[sflag:s23] =	ssyncset.done $0x0  }
0xb9: {  	[sflag:s23] =	ssyncadd.s32 $0xFFFFC000  }
0xba: {  	[tilespmem:s24], [sflag:$0x1] =	stream.strided.gather [hbm4b:s12+s20], $0x2000, s21, s20, $0x38;
	[tilespmem:$0x1E800] =	vst v63  }
0xbb: {  	_ =	swait.ge [sflag:s23], $0x2000  }
0xbc: {  	[sflag:s23] =	ssyncset.done $0x0  }
0xbd: {  	[sflag:s23] =	ssyncadd.s32 $0xFFFFE000  }
.LBB2_12:
0xbe: {  	s28 =	sshra.s32 s26, $0x2  }
0xbf: {  	v1 =	vld [tilespmem:s28+$0x18800];
	_ =	sdelay $0x2  }
0xc0: {  	v2 =	vld [tilespmem:s28+$0x1C800];
	_ =	sdelay $0x4  }
0xc1: {  	[tilespmem:v1+s2+$0x0] =	vst.idx.add.f32.msk $0xffff, v2  }
0xc2: {  	v1 =	vld [tilespmem:s28+$0x18810];
	_ =	sdelay $0x2  }
0xc3: {  	v2 =	vld [tilespmem:s28+$0x1C810];
	_ =	sdelay $0x4  }
0xc4: {  	[tilespmem:v1+s2+$0x0] =	vst.idx.add.f32.msk $0xffff, v2  }
0xc5: {  	v1 =	vld [tilespmem:s28+$0x18820];
	_ =	sdelay $0x2  }
0xc6: {  	v2 =	vld [tilespmem:s28+$0x1C820];
	_ =	sdelay $0x4  }
0xc7: {  	[tilespmem:v1+s2+$0x0] =	vst.idx.add.f32.msk $0xffff, v2  }
0xc8: {  	v1 =	vld [tilespmem:s28+$0x18830];
	_ =	sdelay $0x2  }
0xc9: {  	v2 =	vld [tilespmem:s28+$0x1C830];
	_ =	sdelay $0x4  }
0xca: {  	[tilespmem:v1+s2+$0x0] =	vst.idx.add.f32.msk $0xffff, v2  }
0xcb: {  	v1 =	vld [tilespmem:s28+$0x18840];
	_ =	sdelay $0x2  }
0xcc: {  	v2 =	vld [tilespmem:s28+$0x1C840];
	_ =	sdelay $0x4  }
0xcd: {  	[tilespmem:v1+s2+$0x0] =	vst.idx.add.f32.msk $0xffff, v2  }
0xce: {  	v1 =	vld [tilespmem:s28+$0x18850];
	_ =	sdelay $0x2  }
0xcf: {  	v2 =	vld [tilespmem:s28+$0x1C850];
	_ =	sdelay $0x4  }
0xd0: {  	[tilespmem:v1+s2+$0x0] =	vst.idx.add.f32.msk $0xffff, v2  }
0xd1: {  	v1 =	vld [tilespmem:s28+$0x18860];
	_ =	sdelay $0x2  }
0xd2: {  	v2 =	vld [tilespmem:s28+$0x1C860];
	_ =	sdelay $0x4  }
0xd3: {  	[tilespmem:v1+s2+$0x0] =	vst.idx.add.f32.msk $0xffff, v2  }
0xd4: {  	v1 =	vld [tilespmem:s28+$0x18870];
	_ =	sdelay $0x2  }
0xd5: {  	p0 =	sne.s32 s26, $0x7E00;
	v2 =	vld [tilespmem:s28+$0x1C870]  }
.Ltmp5:
0xd6: {  	_ = 	snop;
	(pc) =	sbr.rel @p0 .LBB2_12-.Ltmp5, $2  }
0xd7: {  	_ =	sdelay $0x2  }
0xd8: {  	s26 =	sadd.s32 $0x200, s26;
	[tilespmem:v1+s2+$0x0] =	vst.idx.add.f32.msk $0xffff, v2  }
0xd9: {  	[tilespmem:s24], [sflag:$0x1] =	stream.strided.gather [hbm4b:s13+s20], $0x2000, s21, s20, $0x38;
	[tilespmem:$0x1E800] =	vst v63  }
0xda: {  	_ =	swait.ge [sflag:s23], $0x2000  }
0xdb: {  	[sflag:s23] =	ssyncset.done $0x0  }
0xdc: {  	s26 =	simm.s32 $0x100;
	[sflag:s23] =	ssyncadd.s32 $0xFFFFE000  }
.LBB2_14:
0xdd: {  	s28 =	sshra.s32 s26, $0x2  }
0xde: {  	v1 =	vld [tilespmem:s28+$0x1A7C0];
	_ =	sdelay $0x2  }
0xdf: {  	v2 =	vld [tilespmem:s28+$0x1C7C0];
	_ =	sdelay $0x4  }
0xe0: {  	[tilespmem:v1+s2+$0x0] =	vst.idx.add.f32.msk $0xffff, v2  }
0xe1: {  	v1 =	vld [tilespmem:s28+$0x1A7D0];
	_ =	sdelay $0x2  }
0xe2: {  	v2 =	vld [tilespmem:s28+$0x1C7D0];
	_ =	sdelay $0x4  }
0xe3: {  	[tilespmem:v1+s2+$0x0] =	vst.idx.add.f32.msk $0xffff, v2  }
0xe4: {  	v1 =	vld [tilespmem:s28+$0x1A7E0];
	_ =	sdelay $0x2  }
0xe5: {  	v2 =	vld [tilespmem:s28+$0x1C7E0];
	_ =	sdelay $0x4  }
0xe6: {  	[tilespmem:v1+s2+$0x0] =	vst.idx.add.f32.msk $0xffff, v2  }
0xe7: {  	v1 =	vld [tilespmem:s28+$0x1A7F0];
	_ =	sdelay $0x2  }
0xe8: {  	v2 =	vld [tilespmem:s28+$0x1C7F0];
	_ =	sdelay $0x4  }
0xe9: {  	[tilespmem:v1+s2+$0x0] =	vst.idx.add.f32.msk $0xffff, v2  }
0xea: {  	v1 =	vld [tilespmem:s28+$0x1A800];
	_ =	sdelay $0x2  }
0xeb: {  	v2 =	vld [tilespmem:s28+$0x1C800];
	_ =	sdelay $0x4  }
0xec: {  	[tilespmem:v1+s2+$0x0] =	vst.idx.add.f32.msk $0xffff, v2  }
0xed: {  	v1 =	vld [tilespmem:s28+$0x1A810];
	_ =	sdelay $0x2  }
0xee: {  	v2 =	vld [tilespmem:s28+$0x1C810];
	_ =	sdelay $0x4  }
0xef: {  	[tilespmem:v1+s2+$0x0] =	vst.idx.add.f32.msk $0xffff, v2  }
0xf0: {  	v1 =	vld [tilespmem:s28+$0x1A820];
	_ =	sdelay $0x2  }
0xf1: {  	v2 =	vld [tilespmem:s28+$0x1C820];
	_ =	sdelay $0x4  }
0xf2: {  	[tilespmem:v1+s2+$0x0] =	vst.idx.add.f32.msk $0xffff, v2  }
0xf3: {  	v1 =	vld [tilespmem:s28+$0x1A830];
	_ =	sdelay $0x2  }
0xf4: {  	p0 =	sne.s32 s26, $0x7F00;
	v2 =	vld [tilespmem:s28+$0x1C830]  }
.Ltmp6:
0xf5: {  	_ = 	snop;
	(pc) =	sbr.rel @p0 .LBB2_14-.Ltmp6, $2  }
0xf6: {  	_ =	sdelay $0x2  }
0xf7: {  	s26 =	sadd.s32 $0x200, s26;
	[tilespmem:v1+s2+$0x0] =	vst.idx.add.f32.msk $0xffff, v2  }
0xf8: {  	s26 =	simm.s32 $0x0  }
0xf9: {  	[hbm4b:s14+s20] =	stream.strided.scatter [tilespmem:s26], [sflag:$0x1], $0x18800, s21, s20, $0x38;
	[tilespmem:$0x1E800] =	vst v63  }
0xfa: {  	_ =	swait.ge [sflag:s23], $0x18800  }
0xfb: {  	[sflag:s23] =	ssyncset.done $0x0  }
0xfc: {  	[sflag:s23] =	ssyncadd.s32 $0xFFFE7800  }
0xfd: {  	[tilespmem:s22], [sflag:$0x1] =	stream.strided.gather [hbm4b:s15+s20], $0x4000, s21, s20, $0x38;
	[tilespmem:$0x1E800] =	vst v63  }
0xfe: {  	_ =	swait.ge [sflag:s23], $0x4000  }
0xff: {  	[sflag:s23] =	ssyncset.done $0x0  }
0x100: {  	[sflag:s23] =	ssyncadd.s32 $0xFFFFC000  }
0x101: {  	[tilespmem:s24], [sflag:$0x1] =	stream.strided.gather [hbm4b:s16+s20], $0x2000, s21, s20, $0x38;
	[tilespmem:$0x1E800] =	vst v63  }
0x102: {  	_ =	swait.ge [sflag:s23], $0x2000  }
0x103: {  	[sflag:s23] =	ssyncset.done $0x0  }
0x104: {  	[sflag:s23] =	ssyncadd.s32 $0xFFFFE000  }
.LBB2_16:
0x105: {  	s28 =	sshra.s32 s26, $0x2  }
0x106: {  	v1 =	vld [tilespmem:s28+$0x18800];
	_ =	sdelay $0x2  }
0x107: {  	v2 =	vld [tilespmem:s28+$0x1C800];
	_ =	sdelay $0x4  }
0x108: {  	[tilespmem:v1+s2+$0x0] =	vst.idx.add.f32.msk $0xffff, v2  }
0x109: {  	v1 =	vld [tilespmem:s28+$0x18810];
	_ =	sdelay $0x2  }
0x10a: {  	v2 =	vld [tilespmem:s28+$0x1C810];
	_ =	sdelay $0x4  }
0x10b: {  	[tilespmem:v1+s2+$0x0] =	vst.idx.add.f32.msk $0xffff, v2  }
0x10c: {  	v1 =	vld [tilespmem:s28+$0x18820];
	_ =	sdelay $0x2  }
0x10d: {  	v2 =	vld [tilespmem:s28+$0x1C820];
	_ =	sdelay $0x4  }
0x10e: {  	[tilespmem:v1+s2+$0x0] =	vst.idx.add.f32.msk $0xffff, v2  }
0x10f: {  	v1 =	vld [tilespmem:s28+$0x18830];
	_ =	sdelay $0x2  }
0x110: {  	v2 =	vld [tilespmem:s28+$0x1C830];
	_ =	sdelay $0x4  }
0x111: {  	[tilespmem:v1+s2+$0x0] =	vst.idx.add.f32.msk $0xffff, v2  }
0x112: {  	v1 =	vld [tilespmem:s28+$0x18840];
	_ =	sdelay $0x2  }
0x113: {  	v2 =	vld [tilespmem:s28+$0x1C840];
	_ =	sdelay $0x4  }
0x114: {  	[tilespmem:v1+s2+$0x0] =	vst.idx.add.f32.msk $0xffff, v2  }
0x115: {  	v1 =	vld [tilespmem:s28+$0x18850];
	_ =	sdelay $0x2  }
0x116: {  	v2 =	vld [tilespmem:s28+$0x1C850];
	_ =	sdelay $0x4  }
0x117: {  	[tilespmem:v1+s2+$0x0] =	vst.idx.add.f32.msk $0xffff, v2  }
0x118: {  	v1 =	vld [tilespmem:s28+$0x18860];
	_ =	sdelay $0x2  }
0x119: {  	v2 =	vld [tilespmem:s28+$0x1C860];
	_ =	sdelay $0x4  }
0x11a: {  	[tilespmem:v1+s2+$0x0] =	vst.idx.add.f32.msk $0xffff, v2  }
0x11b: {  	v1 =	vld [tilespmem:s28+$0x18870];
	_ =	sdelay $0x2  }
0x11c: {  	p0 =	sne.s32 s26, $0x7E00;
	v2 =	vld [tilespmem:s28+$0x1C870]  }
.Ltmp7:
0x11d: {  	_ = 	snop;
	(pc) =	sbr.rel @p0 .LBB2_16-.Ltmp7, $2  }
0x11e: {  	_ =	sdelay $0x2  }
0x11f: {  	s26 =	sadd.s32 $0x200, s26;
	[tilespmem:v1+s2+$0x0] =	vst.idx.add.f32.msk $0xffff, v2  }
0x120: {  	[tilespmem:s24], [sflag:$0x1] =	stream.strided.gather [hbm4b:s17+s20], $0x2000, s21, s20, $0x38;
	[tilespmem:$0x1E800] =	vst v63  }
0x121: {  	_ =	swait.ge [sflag:s23], $0x2000  }
0x122: {  	[sflag:s23] =	ssyncset.done $0x0  }
0x123: {  	s26 =	simm.s32 $0x100;
	[sflag:s23] =	ssyncadd.s32 $0xFFFFE000  }
.LBB2_18:
0x124: {  	s28 =	sshra.s32 s26, $0x2  }
0x125: {  	v1 =	vld [tilespmem:s28+$0x1A7C0];
	_ =	sdelay $0x2  }
0x126: {  	v2 =	vld [tilespmem:s28+$0x1C7C0];
	_ =	sdelay $0x4  }
0x127: {  	[tilespmem:v1+s2+$0x0] =	vst.idx.add.f32.msk $0xffff, v2  }
0x128: {  	v1 =	vld [tilespmem:s28+$0x1A7D0];
	_ =	sdelay $0x2  }
0x129: {  	v2 =	vld [tilespmem:s28+$0x1C7D0];
	_ =	sdelay $0x4  }
0x12a: {  	[tilespmem:v1+s2+$0x0] =	vst.idx.add.f32.msk $0xffff, v2  }
0x12b: {  	v1 =	vld [tilespmem:s28+$0x1A7E0];
	_ =	sdelay $0x2  }
0x12c: {  	v2 =	vld [tilespmem:s28+$0x1C7E0];
	_ =	sdelay $0x4  }
0x12d: {  	[tilespmem:v1+s2+$0x0] =	vst.idx.add.f32.msk $0xffff, v2  }
0x12e: {  	v1 =	vld [tilespmem:s28+$0x1A7F0];
	_ =	sdelay $0x2  }
0x12f: {  	v2 =	vld [tilespmem:s28+$0x1C7F0];
	_ =	sdelay $0x4  }
0x130: {  	[tilespmem:v1+s2+$0x0] =	vst.idx.add.f32.msk $0xffff, v2  }
0x131: {  	v1 =	vld [tilespmem:s28+$0x1A800];
	_ =	sdelay $0x2  }
0x132: {  	v2 =	vld [tilespmem:s28+$0x1C800];
	_ =	sdelay $0x4  }
0x133: {  	[tilespmem:v1+s2+$0x0] =	vst.idx.add.f32.msk $0xffff, v2  }
0x134: {  	v1 =	vld [tilespmem:s28+$0x1A810];
	_ =	sdelay $0x2  }
0x135: {  	v2 =	vld [tilespmem:s28+$0x1C810];
	_ =	sdelay $0x4  }
0x136: {  	[tilespmem:v1+s2+$0x0] =	vst.idx.add.f32.msk $0xffff, v2  }
0x137: {  	v1 =	vld [tilespmem:s28+$0x1A820];
	_ =	sdelay $0x2  }
0x138: {  	v2 =	vld [tilespmem:s28+$0x1C820];
	_ =	sdelay $0x4  }
0x139: {  	[tilespmem:v1+s2+$0x0] =	vst.idx.add.f32.msk $0xffff, v2  }
0x13a: {  	v1 =	vld [tilespmem:s28+$0x1A830];
	_ =	sdelay $0x2  }
0x13b: {  	p0 =	sne.s32 s26, $0x7F00;
	v2 =	vld [tilespmem:s28+$0x1C830]  }
.Ltmp8:
0x13c: {  	_ = 	snop;
	(pc) =	sbr.rel @p0 .LBB2_18-.Ltmp8, $2  }
0x13d: {  	_ =	sdelay $0x2  }
0x13e: {  	s26 =	sadd.s32 $0x200, s26;
	[tilespmem:v1+s2+$0x0] =	vst.idx.add.f32.msk $0xffff, v2  }
0x13f: {  	s25 =	sadd.s32 $0x1, s25  }
0x140: {  	p0 =	sne.s32 s25, s19  }
.Ltmp9:
0x141: {  	_ = 	snop;
	(pc) =	sbr.rel @p0 .LBB2_1-.Ltmp9, $4  }
0x142: {  	[hbm4b:s18+s20] =	stream.strided.scatter [tilespmem:s2], [sflag:$0x1], $0x18800, s21, s20, $0x38;
	[tilespmem:$0x1E800] =	vst v63  }
0x143: {  	_ =	swait.ge [sflag:s23], $0x18800  }
0x144: {  	[sflag:s23] =	ssyncset.done $0x0  }
0x145: {  	[sflag:s23] =	ssyncadd.s32 $0xFFFE7800  }
0x146: {  	_ =	sfence.sel $0x180000  }
0x147: {  	[bflag:$0x0] =	sbarrier.arrive $0xFFFF  }
0x148: {  	p0 =	sne.s32 s1, $0x0;
	_ =	strace $0x90000047  }
0x149: {  	s0 =	sadd.s32 @!p0 $0x100000, s0;
	[bflag:$0x2] =	sbarrier.arrive $0xFFFF  }
0x14a: {  	[sflag:s0] =	ssyncadd.tile.s32 @!p0 $0x1;
	_ =	shalt  }
.Lfunc_end2:
_tile_overlayer_lowered:
.L_overlay_start_2:
0x14b: {  	(tag) =	ssettag $0x2  }
0x14c: {  	s0 =	rddreg [dreg:$0x0];
	s2 =	stileid.u32  }
0x14d: {  	s1 =	rddreg [dreg:$0x1];
	p0 =	sne.s32 s2, $0x0  }
0x14e: {  	s3 =	rddreg [dreg:$0x2];
	[bflag:$0x3] =	sbarrier.arrive $0xFFFF;
	s2 =	simm.s32 @!p0 $0x1C01  }
0x14f: {  	[timem:s3], [sflag:s2] =	dma.local @!p0 [hbm:s0], s1  }
0x150: {  	s0 =	simm.s32 @!p0 $0x1  }
0x151: {  	_ =	swait.ge @!p0 [sflag:s0], s1  }
0x152: {  	s1 =	ssub.s32 @!p0 $0x0, s1;
	[sflag:s0] =	ssyncset.done @!p0 $0x0  }
0x153: {  	[sflag:s0] =	ssyncadd.s32 @!p0 s1  }
0x154: {  	[bflag:$0x3] =	sbarrier.arrive $0xFFFF  }
0x155: {  	_ =	shalt  }

</sc_bundles>
